<compile_context>
chip_gen: v7x
topology: tpu7x:2x2x1
jax: 0.10.2.dev20260603
libtpu: 0.0.44.dev20260713+nightly
codegen_flags: <defaults>
</compile_context>

<pallas_src>
import jax
import jax.numpy as jnp
from jax import lax
from jax.experimental import pallas as pl
from jax.experimental.pallas import tpu as pltpu
from jax.experimental.pallas import tpu_sc as plsc

N_NODES = 99999
N_EDGES = N_NODES * 64
N_OUT = N_NODES // 3
ACC = 33792
X_PAD = 100000

NC, NS = 2, 16
NW = NC * NS
BLK = 4096
NB_FULL = N_EDGES // BLK
REM = N_EDGES - NB_FULL * BLK
TAIL = (REM // 128) * 128
NREM = REM - TAIL
NB_EXTRA = NB_FULL - (NB_FULL // NW) * NW
NPAIR = (NB_FULL // NW) // 2
ZSEG = ACC // NS


def _sc_scatter(x_hbm, ei_hbm, p_hbm,
                x_v, ed_v, idx_v, val_v, idx_w, val_w,
                idx_t, val_t, seg_v, acc_sh, sem, sem2):
    cid = lax.axis_index("c")
    sid = lax.axis_index("s")
    wid = sid * NC + cid

    pltpu.sync_copy(x_hbm, x_v)

    def zstep(j, c):
        seg_v[pl.ds(j * 16, 16)] = jnp.zeros((16,), jnp.float32)
        return c
    lax.fori_loop(0, ZSEG // 16, zstep, 0)
    pltpu.sync_copy(seg_v, acc_sh.at[pl.ds(sid * ZSEG, ZSEG)])
    plsc.subcore_barrier()

    three = jnp.int32(3)
    third = jnp.float32(1.0 / 3.0)

    def step(iref, vref, o, oo):
        s16 = ed_v[0, pl.ds(o, 16)]
        d16 = ed_v[1, pl.ds(o, 16)]
        xs = plsc.load_gather(x_v, [s16])
        q = (d16.astype(jnp.float32) * third).astype(jnp.int32)
        r = d16 - q * three
        iref[pl.ds(oo, 16)] = q
        vref[pl.ds(oo, 16)] = jnp.where(r == 0, xs, jnp.float32(0.0))

    def fill(boff, idx_b, val_b):
        pltpu.sync_copy(ei_hbm.at[:, pl.ds(boff, BLK)], ed_v)

        def group(t, c2):
            for j in range(8):
                o = t * 128 + j * 16
                step(idx_b, val_b, o, o)
            return c2
        lax.fori_loop(0, BLK // 128, group, 0)

    def pair(h, c):
        boff0 = (2 * h * NW + wid) * BLK

        @pl.when(h > 0)
        def _():
            pltpu.make_async_copy(val_v, acc_sh.at[idx_v], sem).wait()
        fill(boff0, idx_v, val_v)
        pltpu.async_copy(val_v, acc_sh.at[idx_v], sem, add=True)

        @pl.when(h > 0)
        def _():
            pltpu.make_async_copy(val_w, acc_sh.at[idx_w], sem2).wait()
        fill(boff0 + NW * BLK, idx_w, val_w)
        pltpu.async_copy(val_w, acc_sh.at[idx_w], sem2, add=True)
        return c
    lax.fori_loop(0, NPAIR, pair, 0)
    pltpu.make_async_copy(val_v, acc_sh.at[idx_v], sem).wait()
    pltpu.make_async_copy(val_w, acc_sh.at[idx_w], sem2).wait()

    @pl.when(wid < NB_EXTRA)
    def _():
        fill((2 * NPAIR * NW + wid) * BLK, idx_v, val_v)
        pltpu.sync_copy(val_v, acc_sh.at[idx_v], add=True)

    @pl.when(wid == NW - 1)
    def _():
        pltpu.sync_copy(ei_hbm.at[:, pl.ds(NB_FULL * BLK, TAIL)],
                        ed_v.at[:, pl.ds(0, TAIL)])
        for cpart in range(2):
            def tstep(j, c, _cp=cpart):
                step(idx_t, val_t, _cp * (TAIL // 2) + j * 16, j * 16)
                return c
            lax.fori_loop(0, TAIL // 32, tstep, 0)
            pltpu.sync_copy(val_t, acc_sh.at[idx_t], add=True)

    plsc.subcore_barrier()

    pltpu.sync_copy(acc_sh.at[pl.ds(sid * ZSEG, ZSEG)], seg_v)
    pltpu.sync_copy(seg_v, p_hbm.at[pl.ds(cid * ACC + sid * ZSEG, ZSEG)])


def _combine(consts_ref, q_ref, v_ref, p0_ref, p1_ref, x3_ref, out_ref):
    wl = consts_ref[0]
    wr = consts_ref[1]
    w10 = consts_ref[2]
    w11 = consts_ref[3]
    b10 = consts_ref[4]
    b11 = consts_ref[5]
    w20 = consts_ref[6]
    w21 = consts_ref[7]
    b2v = consts_ref[8]

    lin = (lax.broadcasted_iota(jnp.int32, (264, 128), 0) * 128
           + lax.broadcasted_iota(jnp.int32, (264, 128), 1))

    def estep(e, acc):
        return acc + jnp.where(lin == q_ref[e], v_ref[e], 0.0)
    tail_acc = lax.fori_loop(
        0, NREM, estep, jnp.zeros((264, 128), jnp.float32))

    h = wl * (p0_ref[...] + p1_ref[...] + tail_acc) + wr * x3_ref[...]
    a0 = jnp.maximum(w10 * h + b10, 0.0)
    a1 = jnp.maximum(w11 * h + b11, 0.0)
    out_ref[...] = w20 * a0 + w21 * a1 + b2v


def kernel(x, edge_index, W_l, W_r, w1, b1, w2, b2):
    xf = x.reshape(-1)
    x_p = jnp.concatenate(
        [xf, jnp.zeros((X_PAD - N_NODES,), jnp.float32)])

    mesh = plsc.VectorSubcoreMesh(core_axis_name="c", subcore_axis_name="s")
    partials = pl.kernel(
        _sc_scatter,
        out_type=jax.ShapeDtypeStruct((NC * ACC,), jnp.float32),
        mesh=mesh,
        compiler_params=pltpu.CompilerParams(needs_layout_passes=False),
        scratch_types=[
            pltpu.VMEM((X_PAD,), jnp.float32),
            pltpu.VMEM((2, BLK), jnp.int32),
            pltpu.VMEM((BLK,), jnp.int32),
            pltpu.VMEM((BLK,), jnp.float32),
            pltpu.VMEM((BLK,), jnp.int32),
            pltpu.VMEM((BLK,), jnp.float32),
            pltpu.VMEM((TAIL // 2,), jnp.int32),
            pltpu.VMEM((TAIL // 2,), jnp.float32),
            pltpu.VMEM((ZSEG,), jnp.float32),
            pltpu.VMEM_SHARED((ACC,), jnp.float32),
            pltpu.SemaphoreType.DMA,
            pltpu.SemaphoreType.DMA,
        ],
    )(x_p, edge_index)

    src_r = edge_index[0, N_EDGES - NREM:]
    dst_r = edge_index[1, N_EDGES - NREM:]
    q_r = dst_r // 3
    v_r = jnp.where(dst_r % 3 == 0, xf[src_r], 0.0).astype(jnp.float32)

    x3 = xf[: N_OUT * 3].reshape(N_OUT, 3)[:, 0]
    x3_p = jnp.concatenate(
        [x3, jnp.zeros((ACC - N_OUT,), jnp.float32)]).reshape(264, 128)
    consts = jnp.concatenate([
        W_l.reshape(-1), W_r.reshape(-1), w1.reshape(-1),
        b1.reshape(-1), w2.reshape(-1), b2.reshape(-1),
        jnp.zeros((7,), jnp.float32),
    ])

    out2d = pl.pallas_call(
        _combine,
        out_shape=jax.ShapeDtypeStruct((264, 128), jnp.float32),
        in_specs=[
            pl.BlockSpec(memory_space=pltpu.SMEM),
            pl.BlockSpec(memory_space=pltpu.SMEM),
            pl.BlockSpec(memory_space=pltpu.SMEM),
            pl.BlockSpec(memory_space=pltpu.VMEM),
            pl.BlockSpec(memory_space=pltpu.VMEM),
            pl.BlockSpec(memory_space=pltpu.VMEM),
        ],
        out_specs=pl.BlockSpec(memory_space=pltpu.VMEM),
    )(consts, q_r, v_r, partials[:ACC].reshape(264, 128),
      partials[ACC:].reshape(264, 128), x3_p)

    return out2d.reshape(-1)[:N_OUT]

# --- scband reference (transcript-rebuilt; emitter-appended) ---
"""Pipeline reference for scband-non-linear-sage-54400055771179 (READ-ONLY COPY).

The authoritative reference and input builder live on the scoring server;
editing this copy changes nothing except your own understanding.
"""

import jax, jax.numpy as jnp
import numpy as np

N_NODES = 99999
N_EDGES = N_NODES * 64


def setup_inputs(seed: int = 0) -> dict:
    key = jax.random.key(seed)
    k1, k2, k3, k4, k5, k6, k7, k8 = jax.random.split(key, 8)
    x = jax.random.normal(k1, (N_NODES, 1), dtype=jnp.float32)
    edge_index = jax.random.randint(k2, (2, N_EDGES), 0, N_NODES, dtype=jnp.int32)
    # SAGEConv(1, 1, normalize=False, bias=False, aggr='sum') params:
    #   lin_l applied to aggregated neighbor features, lin_r to self features.
    W_l = jax.random.normal(k3, (1, 1), dtype=jnp.float32) * 0.5
    W_r = jax.random.normal(k4, (1, 1), dtype=jnp.float32) * 0.5
    # activation == 'mlp': Linear(1, 2) -> ReLU -> Linear(2, 1)
    w1 = jax.random.normal(k5, (2, 1), dtype=jnp.float32) * 0.5
    b1 = jax.random.normal(k6, (2,), dtype=jnp.float32) * 0.1
    w2 = jax.random.normal(k7, (1, 2), dtype=jnp.float32) * 0.5
    b2 = jax.random.normal(k8, (1,), dtype=jnp.float32) * 0.1
    return {"x": x, "edge_index": edge_index, "W_l": W_l, "W_r": W_r,
            "w1": w1, "b1": b1, "w2": w2, "b2": b2}


def reference(x, edge_index, W_l, W_r, w1, b1, w2, b2):
    src = edge_index[0]
    dst = edge_index[1]
    # SAGEConv with aggr='sum': sum of source-node features at each destination node
    msg = jnp.take(x, src, axis=0)                       # gather  [E, 1]
    agg = jnp.zeros_like(x).at[dst].add(msg)             # scatter-add [N, 1]
    h = agg @ W_l.T + x @ W_r.T                          # [N, 1] (bias=False, normalize=False)
    # x.view(-1, 3); take column 0 as [-1, 1]
    h3 = h.reshape(-1, 3)
    col0 = h3[:, 0:1]                                    # [N/3, 1]
    # mlp activation: Linear(1,2) -> ReLU -> Linear(2,1)
    a = jnp.maximum(col0 @ w1.T + b1, 0.0)
    out = a @ w2.T + b2                                  # [N/3, 1]
    return out.reshape(-1)

if __name__ == "__main__":
    import jax
    _d = setup_inputs()
    print(jax.jit(kernel)(*tuple(_d.values())))

</pallas_src>

<mosaic_0001>
#map = affine_map<(d0, d1) -> (0)>
#map1 = affine_map<(d0, d1) -> (0, 0)>
module attributes {stable_mosaic.version = 14 : i64} {
  func.func @_sc_scatter(%arg0: i32, %arg1: i32, %arg2: memref<100000xf32, #tpu.memory_space<hbm>>, %arg3: memref<2x6399936xi32, #tpu.memory_space<hbm>>, %arg4: memref<67584xf32, #tpu.memory_space<hbm>>, %arg5: memref<100000xf32, #tpu.memory_space<vmem>>, %arg6: memref<2x4096xi32, #tpu.memory_space<vmem>>, %arg7: memref<4096xi32, #tpu.memory_space<vmem>>, %arg8: memref<4096xf32, #tpu.memory_space<vmem>>, %arg9: memref<4096xi32, #tpu.memory_space<vmem>>, %arg10: memref<4096xf32, #tpu.memory_space<vmem>>, %arg11: memref<960xi32, #tpu.memory_space<vmem>>, %arg12: memref<960xf32, #tpu.memory_space<vmem>>, %arg13: memref<2112xf32, #tpu.memory_space<vmem>>, %arg14: memref<33792xf32, #tpu.memory_space<vmem_shared>>, %arg15: memref<!tpu.dma_semaphore, #tpu.memory_space<semaphore_mem>>, %arg16: memref<!tpu.dma_semaphore, #tpu.memory_space<semaphore_mem>>) attributes {dimension_semantics = [#tpu.dimension_semantics<core_parallel>, #tpu.dimension_semantics<subcore_parallel>], iteration_bounds = array<i64: 2, 16>, scalar_prefetch = 0 : i64, scratch_operands = 12 : i64, tpu.core_type = #tpu.core_type<sc_vector_subcore>, window_params = [{transform_indices = #map}, {transform_indices = #map1}, {transform_indices = #map}]} {
    %mul3A = arith.constant 2 : i32
    %mul3A_0 = arith.muli %arg1, %mul3A : i32
    %add3A = arith.addi %mul3A_0, %arg0 : i32
    "tpu.region"() ({
      %run_scoped3A = tpu.sem_alloc : memref<!tpu.dma_semaphore, #tpu.memory_space<semaphore_mem>>
      tpu.enqueue_dma source(%arg2 : memref<100000xf32, #tpu.memory_space<hbm>>) target(%arg5 : memref<100000xf32, #tpu.memory_space<vmem>>) target_semaphore(%run_scoped3A : memref<!tpu.dma_semaphore, #tpu.memory_space<semaphore_mem>>)
      tpu.wait_dma2 semaphore(%run_scoped3A : memref<!tpu.dma_semaphore, #tpu.memory_space<semaphore_mem>>) src(%arg2 : memref<100000xf32, #tpu.memory_space<hbm>>) dst(%arg5 : memref<100000xf32, #tpu.memory_space<vmem>>)
      tpu.yield
    }) : () -> ()
    %scan3A = arith.constant 0 : i32
    %scan3A_1 = arith.constant 0 : i32
    %scan3A_2 = arith.constant 132 : i32
    %scan3A_3 = arith.addi %scan3A_1, %scan3A_2 : i32
    %scan3A_4 = arith.constant 1 : i32
    scf.for %scan3A_37 = %scan3A_1 to %scan3A_3 step %scan3A_4  : i32 {
      %broadcast_in_dim3A = arith.constant 0.000000e+00 : f32
      %broadcast_in_dim3A_38 = vector.broadcast %broadcast_in_dim3A : f32 to vector<16xf32>
      %mul3A_39 = arith.constant 16 : i32
      %mul3A_40 = arith.muli %scan3A_37, %mul3A_39 : i32
      %swap3A = arith.index_cast %mul3A_40 : i32 to index
      %swap3A_41 = tpu.vector_load %arg13[%swap3A] {strides = array<i32>} : memref<2112xf32, #tpu.memory_space<vmem>>, vector<16xf32>,
      tpu.vector_store %arg13[%swap3A], %broadcast_in_dim3A_38 {strides = array<i32>} : memref<2112xf32, #tpu.memory_space<vmem>>, vector<16xf32>,
    }
    %scan3A_5 = arith.constant 132 : i32
    %mul3A_6 = arith.constant 2112 : i32
    %mul3A_7 = arith.muli %arg1, %mul3A_6 : i32
    "tpu.region"() ({
      %run_scoped3A = tpu.sem_alloc : memref<!tpu.dma_semaphore, #tpu.memory_space<semaphore_mem>>
      %dma_start3A = tpu.memref_slice %arg14[%mul3A_7] : memref<33792xf32, #tpu.memory_space<vmem_shared>> -> memref<2112xf32, #tpu.memory_space<vmem_shared>>
      %dma_start3A_37 = tpu.memref_slice %arg14[%mul3A_7] : memref<33792xf32, #tpu.memory_space<vmem_shared>> -> memref<2112xf32, #tpu.memory_space<vmem_shared>>
      tpu.enqueue_dma source(%arg13 : memref<2112xf32, #tpu.memory_space<vmem>>) target(%dma_start3A_37 : memref<2112xf32, #tpu.memory_space<vmem_shared>>) target_semaphore(%run_scoped3A : memref<!tpu.dma_semaphore, #tpu.memory_space<semaphore_mem>>)
      %dma_wait3A_38 = tpu.memref_slice %arg14[%mul3A_7] : memref<33792xf32, #tpu.memory_space<vmem_shared>> -> memref<2112xf32, #tpu.memory_space<vmem_shared>>
      %dma_wait3A_39 = tpu.memref_slice %arg14[%mul3A_7] : memref<33792xf32, #tpu.memory_space<vmem_shared>> -> memref<2112xf32, #tpu.memory_space<vmem_shared>>
      tpu.wait_dma2 semaphore(%run_scoped3A : memref<!tpu.dma_semaphore, #tpu.memory_space<semaphore_mem>>) src(%arg13 : memref<2112xf32, #tpu.memory_space<vmem>>) dst(%dma_wait3A_39 : memref<2112xf32, #tpu.memory_space<vmem_shared>>)
      tpu.yield
    }) : () -> ()
    %barrier3A = arith.constant 0 : index
    tpu.barrier barrier_id(%barrier3A)
    %scan3A_8 = arith.constant 0 : i32
    %scan3A_9 = arith.constant 0.333333343 : f32
    %scan3A_10 = arith.constant 3 : i32
    %scan3A_11 = arith.constant 0 : i32
    %scan3A_12 = arith.constant 24 : i32
    %scan3A_13 = arith.addi %scan3A_11, %scan3A_12 : i32
    %scan3A_14 = arith.constant 1 : i32
    scf.for %scan3A_37 = %scan3A_11 to %scan3A_13 step %scan3A_14  : i32 {
      %mul3A_38 = arith.constant 2 : i32
      %mul3A_39 = arith.muli %mul3A_38, %scan3A_37 : i32
      %mul3A_40 = arith.constant 32 : i32
      %mul3A_41 = arith.muli %mul3A_39, %mul3A_40 : i32
      %add3A_42 = arith.addi %mul3A_41, %add3A : i32
      %mul3A_43 = arith.constant 4096 : i32
      %mul3A_44 = arith.muli %add3A_42, %mul3A_43 : i32
      %gt3A = arith.constant 0 : i32
      %gt3A_45 = arith.cmpi sgt, %scan3A_37, %gt3A : i32
      %convert_element_type3A_46 = arith.extui %gt3A_45 : i1 to i32
      %cond3A_47 = arith.constant 0 : i32
      %cond3A_48 = arith.cmpi ne, %convert_element_type3A_46, %cond3A_47 : i32
      scf.if %cond3A_48 {
        %dma_wait3A_71 = arith.constant 0 : i32
        %dma_wait3A_72 = tpu.memref_slice %arg14[%dma_wait3A_71] : memref<33792xf32, #tpu.memory_space<vmem_shared>> -> memref<33792xf32, #tpu.memory_space<vmem_shared>>
        tpu.wait_indirect_dma semaphore(%arg15 : memref<!tpu.dma_semaphore, #tpu.memory_space<semaphore_mem>>) src(%arg8 : memref<4096xf32, #tpu.memory_space<vmem>>) dst(%dma_wait3A_72 : memref<33792xf32, #tpu.memory_space<vmem_shared>>)
      } else {
      }
      "tpu.region"() ({
        %run_scoped3A = tpu.sem_alloc : memref<!tpu.dma_semaphore, #tpu.memory_space<semaphore_mem>>
        %dma_start3A_71 = arith.constant 0 : i32
        %dma_start3A_72 = tpu.memref_slice %arg3[%dma_start3A_71, %mul3A_44] : memref<2x6399936xi32, #tpu.memory_space<hbm>> -> memref<2x4096xi32, #tpu.memory_space<hbm>>
        %dma_start3A_73 = arith.constant 0 : i32
        %dma_start3A_74 = tpu.memref_slice %arg3[%dma_start3A_73, %mul3A_44] : memref<2x6399936xi32, #tpu.memory_space<hbm>> -> memref<2x4096xi32, #tpu.memory_space<hbm>>
        tpu.enqueue_dma source(%dma_start3A_74 : memref<2x4096xi32, #tpu.memory_space<hbm>>) target(%arg6 : memref<2x4096xi32, #tpu.memory_space<vmem>>) target_semaphore(%run_scoped3A : memref<!tpu.dma_semaphore, #tpu.memory_space<semaphore_mem>>)
        %dma_wait3A_75 = arith.constant 0 : i32
        %dma_wait3A_76 = tpu.memref_slice %arg3[%dma_wait3A_75, %mul3A_44] : memref<2x6399936xi32, #tpu.memory_space<hbm>> -> memref<2x4096xi32, #tpu.memory_space<hbm>>
        %dma_wait3A_77 = arith.constant 0 : i32
        %dma_wait3A_78 = tpu.memref_slice %arg3[%dma_wait3A_77, %mul3A_44] : memref<2x6399936xi32, #tpu.memory_space<hbm>> -> memref<2x4096xi32, #tpu.memory_space<hbm>>
        tpu.wait_dma2 semaphore(%run_scoped3A : memref<!tpu.dma_semaphore, #tpu.memory_space<semaphore_mem>>) src(%dma_wait3A_78 : memref<2x4096xi32, #tpu.memory_space<hbm>>) dst(%arg6 : memref<2x4096xi32, #tpu.memory_space<vmem>>)
        tpu.yield
      }) : () -> ()
      %scan3A_49 = arith.constant 0 : i32
      %scan3A_50 = arith.constant 0 : i32
      %scan3A_51 = arith.constant 32 : i32
      %scan3A_52 = arith.addi %scan3A_50, %scan3A_51 : i32
      %scan3A_53 = arith.constant 1 : i32
      scf.for %scan3A_71 = %scan3A_50 to %scan3A_52 step %scan3A_53  : i32 {
        %mul3A_72 = arith.constant 128 : i32
        %mul3A_73 = arith.muli %scan3A_71, %mul3A_72 : i32
        %add3A_74 = arith.constant 0 : i32
        %add3A_75 = arith.addi %mul3A_73, %add3A_74 : i32
        %get3A = arith.constant 0 : i32
        %get3A_76 = arith.index_cast %get3A : i32 to index
        %get3A_77 = arith.index_cast %add3A_75 : i32 to index
        %get3A_78 = tpu.vector_load %arg6[%get3A_76, %get3A_77] {strides = array<i32>} : memref<2x4096xi32, #tpu.memory_space<vmem>>, vector<16xi32>,
        %get3A_79 = arith.constant 1 : i32
        %get3A_80 = arith.index_cast %get3A_79 : i32 to index
        %get3A_81 = arith.index_cast %add3A_75 : i32 to index
        %get3A_82 = tpu.vector_load %arg6[%get3A_80, %get3A_81] {strides = array<i32>} : memref<2x4096xi32, #tpu.memory_space<vmem>>, vector<16xi32>,
        %gather3A = tpu.vector_load_idx %arg5[%get3A_78] : memref<100000xf32, #tpu.memory_space<vmem>>[vector<16xi32>], vector<16xf32>,
        %convert_element_type3A_83 = arith.sitofp %get3A_82 : vector<16xi32> to vector<16xf32>
        %mul3A_84 = vector.broadcast %scan3A_9 : f32 to vector<16xf32>
        %mul3A_85 = arith.mulf %convert_element_type3A_83, %mul3A_84 : vector<16xf32>
        %convert_element_type3A_86 = arith.fptosi %mul3A_85 : vector<16xf32> to vector<16xi32>
        %mul3A_87 = vector.broadcast %scan3A_10 : i32 to vector<16xi32>
        %mul3A_88 = arith.muli %convert_element_type3A_86, %mul3A_87 : vector<16xi32>
        %sub3A = arith.subi %get3A_82, %mul3A_88 : vector<16xi32>
        %swap3A = arith.index_cast %add3A_75 : i32 to index
        %swap3A_89 = tpu.vector_load %arg7[%swap3A] {strides = array<i32>} : memref<4096xi32, #tpu.memory_space<vmem>>, vector<16xi32>,
        tpu.vector_store %arg7[%swap3A], %convert_element_type3A_86 {strides = array<i32>} : memref<4096xi32, #tpu.memory_space<vmem>>, vector<16xi32>,
        %eq3A_90 = arith.constant 0 : i32
        %eq3A_91 = vector.broadcast %eq3A_90 : i32 to vector<16xi32>
        %eq3A_92 = arith.cmpi eq, %sub3A, %eq3A_91 : vector<16xi32>
        %jit3A = arith.constant 0.000000e+00 : f32
        %broadcast_in_dim3A = vector.broadcast %jit3A : f32 to vector<16xf32>
        %select_n3A = arith.select %eq3A_92, %gather3A, %broadcast_in_dim3A : vector<16xi1>, vector<16xf32>
        %swap3A_93 = arith.index_cast %add3A_75 : i32 to index
        %swap3A_94 = tpu.vector_load %arg8[%swap3A_93] {strides = array<i32>} : memref<4096xf32, #tpu.memory_space<vmem>>, vector<16xf32>,
        tpu.vector_store %arg8[%swap3A_93], %select_n3A {strides = array<i32>} : memref<4096xf32, #tpu.memory_space<vmem>>, vector<16xf32>,
        %mul3A_95 = arith.constant 128 : i32
        %mul3A_96 = arith.muli %scan3A_71, %mul3A_95 : i32
        %add3A_97 = arith.constant 16 : i32
        %add3A_98 = arith.addi %mul3A_96, %add3A_97 : i32
        %get3A_99 = arith.constant 0 : i32
        %get3A_100 = arith.index_cast %get3A_99 : i32 to index
        %get3A_101 = arith.index_cast %add3A_98 : i32 to index
        %get3A_102 = tpu.vector_load %arg6[%get3A_100, %get3A_101] {strides = array<i32>} : memref<2x4096xi32, #tpu.memory_space<vmem>>, vector<16xi32>,
        %get3A_103 = arith.constant 1 : i32
        %get3A_104 = arith.index_cast %get3A_103 : i32 to index
        %get3A_105 = arith.index_cast %add3A_98 : i32 to index
        %get3A_106 = tpu.vector_load %arg6[%get3A_104, %get3A_105] {strides = array<i32>} : memref<2x4096xi32, #tpu.memory_space<vmem>>, vector<16xi32>,
        %gather3A_107 = tpu.vector_load_idx %arg5[%get3A_102] : memref<100000xf32, #tpu.memory_space<vmem>>[vector<16xi32>], vector<16xf32>,
        %convert_element_type3A_108 = arith.sitofp %get3A_106 : vector<16xi32> to vector<16xf32>
        %mul3A_109 = vector.broadcast %scan3A_9 : f32 to vector<16xf32>
        %mul3A_110 = arith.mulf %convert_element_type3A_108, %mul3A_109 : vector<16xf32>
        %convert_element_type3A_111 = arith.fptosi %mul3A_110 : vector<16xf32> to vector<16xi32>
        %mul3A_112 = vector.broadcast %scan3A_10 : i32 to vector<16xi32>
        %mul3A_113 = arith.muli %convert_element_type3A_111, %mul3A_112 : vector<16xi32>
        %sub3A_114 = arith.subi %get3A_106, %mul3A_113 : vector<16xi32>
        %swap3A_115 = arith.index_cast %add3A_98 : i32 to index
        %swap3A_116 = tpu.vector_load %arg7[%swap3A_115] {strides = array<i32>} : memref<4096xi32, #tpu.memory_space<vmem>>, vector<16xi32>,
        tpu.vector_store %arg7[%swap3A_115], %convert_element_type3A_111 {strides = array<i32>} : memref<4096xi32, #tpu.memory_space<vmem>>, vector<16xi32>,
        %eq3A_117 = arith.constant 0 : i32
        %eq3A_118 = vector.broadcast %eq3A_117 : i32 to vector<16xi32>
        %eq3A_119 = arith.cmpi eq, %sub3A_114, %eq3A_118 : vector<16xi32>
        %jit3A_120 = arith.constant 0.000000e+00 : f32
        %broadcast_in_dim3A_121 = vector.broadcast %jit3A_120 : f32 to vector<16xf32>
        %select_n3A_122 = arith.select %eq3A_119, %gather3A_107, %broadcast_in_dim3A_121 : vector<16xi1>, vector<16xf32>
        %swap3A_123 = arith.index_cast %add3A_98 : i32 to index
        %swap3A_124 = tpu.vector_load %arg8[%swap3A_123] {strides = array<i32>} : memref<4096xf32, #tpu.memory_space<vmem>>, vector<16xf32>,
        tpu.vector_store %arg8[%swap3A_123], %select_n3A_122 {strides = array<i32>} : memref<4096xf32, #tpu.memory_space<vmem>>, vector<16xf32>,
        %mul3A_125 = arith.constant 128 : i32
        %mul3A_126 = arith.muli %scan3A_71, %mul3A_125 : i32
        %add3A_127 = arith.constant 32 : i32
        %add3A_128 = arith.addi %mul3A_126, %add3A_127 : i32
        %get3A_129 = arith.constant 0 : i32
        %get3A_130 = arith.index_cast %get3A_129 : i32 to index
        %get3A_131 = arith.index_cast %add3A_128 : i32 to index
        %get3A_132 = tpu.vector_load %arg6[%get3A_130, %get3A_131] {strides = array<i32>} : memref<2x4096xi32, #tpu.memory_space<vmem>>, vector<16xi32>,
        %get3A_133 = arith.constant 1 : i32
        %get3A_134 = arith.index_cast %get3A_133 : i32 to index
        %get3A_135 = arith.index_cast %add3A_128 : i32 to index
        %get3A_136 = tpu.vector_load %arg6[%get3A_134, %get3A_135] {strides = array<i32>} : memref<2x4096xi32, #tpu.memory_space<vmem>>, vector<16xi32>,
        %gather3A_137 = tpu.vector_load_idx %arg5[%get3A_132] : memref<100000xf32, #tpu.memory_space<vmem>>[vector<16xi32>], vector<16xf32>,
        %convert_element_type3A_138 = arith.sitofp %get3A_136 : vector<16xi32> to vector<16xf32>
        %mul3A_139 = vector.broadcast %scan3A_9 : f32 to vector<16xf32>
        %mul3A_140 = arith.mulf %convert_element_type3A_138, %mul3A_139 : vector<16xf32>
        %convert_element_type3A_141 = arith.fptosi %mul3A_140 : vector<16xf32> to vector<16xi32>
        %mul3A_142 = vector.broadcast %scan3A_10 : i32 to vector<16xi32>
        %mul3A_143 = arith.muli %convert_element_type3A_141, %mul3A_142 : vector<16xi32>
        %sub3A_144 = arith.subi %get3A_136, %mul3A_143 : vector<16xi32>
        %swap3A_145 = arith.index_cast %add3A_128 : i32 to index
        %swap3A_146 = tpu.vector_load %arg7[%swap3A_145] {strides = array<i32>} : memref<4096xi32, #tpu.memory_space<vmem>>, vector<16xi32>,
        tpu.vector_store %arg7[%swap3A_145], %convert_element_type3A_141 {strides = array<i32>} : memref<4096xi32, #tpu.memory_space<vmem>>, vector<16xi32>,
        %eq3A_147 = arith.constant 0 : i32
        %eq3A_148 = vector.broadcast %eq3A_147 : i32 to vector<16xi32>
        %eq3A_149 = arith.cmpi eq, %sub3A_144, %eq3A_148 : vector<16xi32>
        %jit3A_150 = arith.constant 0.000000e+00 : f32
        %broadcast_in_dim3A_151 = vector.broadcast %jit3A_150 : f32 to vector<16xf32>
        %select_n3A_152 = arith.select %eq3A_149, %gather3A_137, %broadcast_in_dim3A_151 : vector<16xi1>, vector<16xf32>
        %swap3A_153 = arith.index_cast %add3A_128 : i32 to index
        %swap3A_154 = tpu.vector_load %arg8[%swap3A_153] {strides = array<i32>} : memref<4096xf32, #tpu.memory_space<vmem>>, vector<16xf32>,
        tpu.vector_store %arg8[%swap3A_153], %select_n3A_152 {strides = array<i32>} : memref<4096xf32, #tpu.memory_space<vmem>>, vector<16xf32>,
        %mul3A_155 = arith.constant 128 : i32
        %mul3A_156 = arith.muli %scan3A_71, %mul3A_155 : i32
        %add3A_157 = arith.constant 48 : i32
        %add3A_158 = arith.addi %mul3A_156, %add3A_157 : i32
        %get3A_159 = arith.constant 0 : i32
        %get3A_160 = arith.index_cast %get3A_159 : i32 to index
        %get3A_161 = arith.index_cast %add3A_158 : i32 to index
        %get3A_162 = tpu.vector_load %arg6[%get3A_160, %get3A_161] {strides = array<i32>} : memref<2x4096xi32, #tpu.memory_space<vmem>>, vector<16xi32>,
        %get3A_163 = arith.constant 1 : i32
        %get3A_164 = arith.index_cast %get3A_163 : i32 to index
        %get3A_165 = arith.index_cast %add3A_158 : i32 to index
        %get3A_166 = tpu.vector_load %arg6[%get3A_164, %get3A_165] {strides = array<i32>} : memref<2x4096xi32, #tpu.memory_space<vmem>>, vector<16xi32>,
        %gather3A_167 = tpu.vector_load_idx %arg5[%get3A_162] : memref<100000xf32, #tpu.memory_space<vmem>>[vector<16xi32>], vector<16xf32>,
        %convert_element_type3A_168 = arith.sitofp %get3A_166 : vector<16xi32> to vector<16xf32>
        %mul3A_169 = vector.broadcast %scan3A_9 : f32 to vector<16xf32>
        %mul3A_170 = arith.mulf %convert_element_type3A_168, %mul3A_169 : vector<16xf32>
        %convert_element_type3A_171 = arith.fptosi %mul3A_170 : vector<16xf32> to vector<16xi32>
        %mul3A_172 = vector.broadcast %scan3A_10 : i32 to vector<16xi32>
        %mul3A_173 = arith.muli %convert_element_type3A_171, %mul3A_172 : vector<16xi32>
        %sub3A_174 = arith.subi %get3A_166, %mul3A_173 : vector<16xi32>
        %swap3A_175 = arith.index_cast %add3A_158 : i32 to index
        %swap3A_176 = tpu.vector_load %arg7[%swap3A_175] {strides = array<i32>} : memref<4096xi32, #tpu.memory_space<vmem>>, vector<16xi32>,
        tpu.vector_store %arg7[%swap3A_175], %convert_element_type3A_171 {strides = array<i32>} : memref<4096xi32, #tpu.memory_space<vmem>>, vector<16xi32>,
        %eq3A_177 = arith.constant 0 : i32
        %eq3A_178 = vector.broadcast %eq3A_177 : i32 to vector<16xi32>
        %eq3A_179 = arith.cmpi eq, %sub3A_174, %eq3A_178 : vector<16xi32>
        %jit3A_180 = arith.constant 0.000000e+00 : f32
        %broadcast_in_dim3A_181 = vector.broadcast %jit3A_180 : f32 to vector<16xf32>
        %select_n3A_182 = arith.select %eq3A_179, %gather3A_167, %broadcast_in_dim3A_181 : vector<16xi1>, vector<16xf32>
        %swap3A_183 = arith.index_cast %add3A_158 : i32 to index
        %swap3A_184 = tpu.vector_load %arg8[%swap3A_183] {strides = array<i32>} : memref<4096xf32, #tpu.memory_space<vmem>>, vector<16xf32>,
        tpu.vector_store %arg8[%swap3A_183], %select_n3A_182 {strides = array<i32>} : memref<4096xf32, #tpu.memory_space<vmem>>, vector<16xf32>,
        %mul3A_185 = arith.constant 128 : i32
        %mul3A_186 = arith.muli %scan3A_71, %mul3A_185 : i32
        %add3A_187 = arith.constant 64 : i32
        %add3A_188 = arith.addi %mul3A_186, %add3A_187 : i32
        %get3A_189 = arith.constant 0 : i32
        %get3A_190 = arith.index_cast %get3A_189 : i32 to index
        %get3A_191 = arith.index_cast %add3A_188 : i32 to index
        %get3A_192 = tpu.vector_load %arg6[%get3A_190, %get3A_191] {strides = array<i32>} : memref<2x4096xi32, #tpu.memory_space<vmem>>, vector<16xi32>,
        %get3A_193 = arith.constant 1 : i32
        %get3A_194 = arith.index_cast %get3A_193 : i32 to index
        %get3A_195 = arith.index_cast %add3A_188 : i32 to index
        %get3A_196 = tpu.vector_load %arg6[%get3A_194, %get3A_195] {strides = array<i32>} : memref<2x4096xi32, #tpu.memory_space<vmem>>, vector<16xi32>,
        %gather3A_197 = tpu.vector_load_idx %arg5[%get3A_192] : memref<100000xf32, #tpu.memory_space<vmem>>[vector<16xi32>], vector<16xf32>,
        %convert_element_type3A_198 = arith.sitofp %get3A_196 : vector<16xi32> to vector<16xf32>
        %mul3A_199 = vector.broadcast %scan3A_9 : f32 to vector<16xf32>
        %mul3A_200 = arith.mulf %convert_element_type3A_198, %mul3A_199 : vector<16xf32>
        %convert_element_type3A_201 = arith.fptosi %mul3A_200 : vector<16xf32> to vector<16xi32>
        %mul3A_202 = vector.broadcast %scan3A_10 : i32 to vector<16xi32>
        %mul3A_203 = arith.muli %convert_element_type3A_201, %mul3A_202 : vector<16xi32>
        %sub3A_204 = arith.subi %get3A_196, %mul3A_203 : vector<16xi32>
        %swap3A_205 = arith.index_cast %add3A_188 : i32 to index
        %swap3A_206 = tpu.vector_load %arg7[%swap3A_205] {strides = array<i32>} : memref<4096xi32, #tpu.memory_space<vmem>>, vector<16xi32>,
        tpu.vector_store %arg7[%swap3A_205], %convert_element_type3A_201 {strides = array<i32>} : memref<4096xi32, #tpu.memory_space<vmem>>, vector<16xi32>,
        %eq3A_207 = arith.constant 0 : i32
        %eq3A_208 = vector.broadcast %eq3A_207 : i32 to vector<16xi32>
        %eq3A_209 = arith.cmpi eq, %sub3A_204, %eq3A_208 : vector<16xi32>
        %jit3A_210 = arith.constant 0.000000e+00 : f32
        %broadcast_in_dim3A_211 = vector.broadcast %jit3A_210 : f32 to vector<16xf32>
        %select_n3A_212 = arith.select %eq3A_209, %gather3A_197, %broadcast_in_dim3A_211 : vector<16xi1>, vector<16xf32>
        %swap3A_213 = arith.index_cast %add3A_188 : i32 to index
        %swap3A_214 = tpu.vector_load %arg8[%swap3A_213] {strides = array<i32>} : memref<4096xf32, #tpu.memory_space<vmem>>, vector<16xf32>,
        tpu.vector_store %arg8[%swap3A_213], %select_n3A_212 {strides = array<i32>} : memref<4096xf32, #tpu.memory_space<vmem>>, vector<16xf32>,
        %mul3A_215 = arith.constant 128 : i32
        %mul3A_216 = arith.muli %scan3A_71, %mul3A_215 : i32
        %add3A_217 = arith.constant 80 : i32
        %add3A_218 = arith.addi %mul3A_216, %add3A_217 : i32
        %get3A_219 = arith.constant 0 : i32
        %get3A_220 = arith.index_cast %get3A_219 : i32 to index
        %get3A_221 = arith.index_cast %add3A_218 : i32 to index
        %get3A_222 = tpu.vector_load %arg6[%get3A_220, %get3A_221] {strides = array<i32>} : memref<2x4096xi32, #tpu.memory_space<vmem>>, vector<16xi32>,
        %get3A_223 = arith.constant 1 : i32
        %get3A_224 = arith.index_cast %get3A_223 : i32 to index
        %get3A_225 = arith.index_cast %add3A_218 : i32 to index
        %get3A_226 = tpu.vector_load %arg6[%get3A_224, %get3A_225] {strides = array<i32>} : memref<2x4096xi32, #tpu.memory_space<vmem>>, vector<16xi32>,
        %gather3A_227 = tpu.vector_load_idx %arg5[%get3A_222] : memref<100000xf32, #tpu.memory_space<vmem>>[vector<16xi32>], vector<16xf32>,
        %convert_element_type3A_228 = arith.sitofp %get3A_226 : vector<16xi32> to vector<16xf32>
        %mul3A_229 = vector.broadcast %scan3A_9 : f32 to vector<16xf32>
        %mul3A_230 = arith.mulf %convert_element_type3A_228, %mul3A_229 : vector<16xf32>
        %convert_element_type3A_231 = arith.fptosi %mul3A_230 : vector<16xf32> to vector<16xi32>
        %mul3A_232 = vector.broadcast %scan3A_10 : i32 to vector<16xi32>
        %mul3A_233 = arith.muli %convert_element_type3A_231, %mul3A_232 : vector<16xi32>
        %sub3A_234 = arith.subi %get3A_226, %mul3A_233 : vector<16xi32>
        %swap3A_235 = arith.index_cast %add3A_218 : i32 to index
        %swap3A_236 = tpu.vector_load %arg7[%swap3A_235] {strides = array<i32>} : memref<4096xi32, #tpu.memory_space<vmem>>, vector<16xi32>,
        tpu.vector_store %arg7[%swap3A_235], %convert_element_type3A_231 {strides = array<i32>} : memref<4096xi32, #tpu.memory_space<vmem>>, vector<16xi32>,
        %eq3A_237 = arith.constant 0 : i32
        %eq3A_238 = vector.broadcast %eq3A_237 : i32 to vector<16xi32>
        %eq3A_239 = arith.cmpi eq, %sub3A_234, %eq3A_238 : vector<16xi32>
        %jit3A_240 = arith.constant 0.000000e+00 : f32
        %broadcast_in_dim3A_241 = vector.broadcast %jit3A_240 : f32 to vector<16xf32>
        %select_n3A_242 = arith.select %eq3A_239, %gather3A_227, %broadcast_in_dim3A_241 : vector<16xi1>, vector<16xf32>
        %swap3A_243 = arith.index_cast %add3A_218 : i32 to index
        %swap3A_244 = tpu.vector_load %arg8[%swap3A_243] {strides = array<i32>} : memref<4096xf32, #tpu.memory_space<vmem>>, vector<16xf32>,
        tpu.vector_store %arg8[%swap3A_243], %select_n3A_242 {strides = array<i32>} : memref<4096xf32, #tpu.memory_space<vmem>>, vector<16xf32>,
        %mul3A_245 = arith.constant 128 : i32
        %mul3A_246 = arith.muli %scan3A_71, %mul3A_245 : i32
        %add3A_247 = arith.constant 96 : i32
        %add3A_248 = arith.addi %mul3A_246, %add3A_247 : i32
        %get3A_249 = arith.constant 0 : i32
        %get3A_250 = arith.index_cast %get3A_249 : i32 to index
        %get3A_251 = arith.index_cast %add3A_248 : i32 to index
        %get3A_252 = tpu.vector_load %arg6[%get3A_250, %get3A_251] {strides = array<i32>} : memref<2x4096xi32, #tpu.memory_space<vmem>>, vector<16xi32>,
        %get3A_253 = arith.constant 1 : i32
        %get3A_254 = arith.index_cast %get3A_253 : i32 to index
        %get3A_255 = arith.index_cast %add3A_248 : i32 to index
        %get3A_256 = tpu.vector_load %arg6[%get3A_254, %get3A_255] {strides = array<i32>} : memref<2x4096xi32, #tpu.memory_space<vmem>>, vector<16xi32>,
        %gather3A_257 = tpu.vector_load_idx %arg5[%get3A_252] : memref<100000xf32, #tpu.memory_space<vmem>>[vector<16xi32>], vector<16xf32>,
        %convert_element_type3A_258 = arith.sitofp %get3A_256 : vector<16xi32> to vector<16xf32>
        %mul3A_259 = vector.broadcast %scan3A_9 : f32 to vector<16xf32>
        %mul3A_260 = arith.mulf %convert_element_type3A_258, %mul3A_259 : vector<16xf32>
        %convert_element_type3A_261 = arith.fptosi %mul3A_260 : vector<16xf32> to vector<16xi32>
        %mul3A_262 = vector.broadcast %scan3A_10 : i32 to vector<16xi32>
        %mul3A_263 = arith.muli %convert_element_type3A_261, %mul3A_262 : vector<16xi32>
        %sub3A_264 = arith.subi %get3A_256, %mul3A_263 : vector<16xi32>
        %swap3A_265 = arith.index_cast %add3A_248 : i32 to index
        %swap3A_266 = tpu.vector_load %arg7[%swap3A_265] {strides = array<i32>} : memref<4096xi32, #tpu.memory_space<vmem>>, vector<16xi32>,
        tpu.vector_store %arg7[%swap3A_265], %convert_element_type3A_261 {strides = array<i32>} : memref<4096xi32, #tpu.memory_space<vmem>>, vector<16xi32>,
        %eq3A_267 = arith.constant 0 : i32
        %eq3A_268 = vector.broadcast %eq3A_267 : i32 to vector<16xi32>
        %eq3A_269 = arith.cmpi eq, %sub3A_264, %eq3A_268 : vector<16xi32>
        %jit3A_270 = arith.constant 0.000000e+00 : f32
        %broadcast_in_dim3A_271 = vector.broadcast %jit3A_270 : f32 to vector<16xf32>
        %select_n3A_272 = arith.select %eq3A_269, %gather3A_257, %broadcast_in_dim3A_271 : vector<16xi1>, vector<16xf32>
        %swap3A_273 = arith.index_cast %add3A_248 : i32 to index
        %swap3A_274 = tpu.vector_load %arg8[%swap3A_273] {strides = array<i32>} : memref<4096xf32, #tpu.memory_space<vmem>>, vector<16xf32>,
        tpu.vector_store %arg8[%swap3A_273], %select_n3A_272 {strides = array<i32>} : memref<4096xf32, #tpu.memory_space<vmem>>, vector<16xf32>,
        %mul3A_275 = arith.constant 128 : i32
        %mul3A_276 = arith.muli %scan3A_71, %mul3A_275 : i32
        %add3A_277 = arith.constant 112 : i32
        %add3A_278 = arith.addi %mul3A_276, %add3A_277 : i32
        %get3A_279 = arith.constant 0 : i32
        %get3A_280 = arith.index_cast %get3A_279 : i32 to index
        %get3A_281 = arith.index_cast %add3A_278 : i32 to index
        %get3A_282 = tpu.vector_load %arg6[%get3A_280, %get3A_281] {strides = array<i32>} : memref<2x4096xi32, #tpu.memory_space<vmem>>, vector<16xi32>,
        %get3A_283 = arith.constant 1 : i32
        %get3A_284 = arith.index_cast %get3A_283 : i32 to index
        %get3A_285 = arith.index_cast %add3A_278 : i32 to index
        %get3A_286 = tpu.vector_load %arg6[%get3A_284, %get3A_285] {strides = array<i32>} : memref<2x4096xi32, #tpu.memory_space<vmem>>, vector<16xi32>,
        %gather3A_287 = tpu.vector_load_idx %arg5[%get3A_282] : memref<100000xf32, #tpu.memory_space<vmem>>[vector<16xi32>], vector<16xf32>,
        %convert_element_type3A_288 = arith.sitofp %get3A_286 : vector<16xi32> to vector<16xf32>
        %mul3A_289 = vector.broadcast %scan3A_9 : f32 to vector<16xf32>
        %mul3A_290 = arith.mulf %convert_element_type3A_288, %mul3A_289 : vector<16xf32>
        %convert_element_type3A_291 = arith.fptosi %mul3A_290 : vector<16xf32> to vector<16xi32>
        %mul3A_292 = vector.broadcast %scan3A_10 : i32 to vector<16xi32>
        %mul3A_293 = arith.muli %convert_element_type3A_291, %mul3A_292 : vector<16xi32>
        %sub3A_294 = arith.subi %get3A_286, %mul3A_293 : vector<16xi32>
        %swap3A_295 = arith.index_cast %add3A_278 : i32 to index
        %swap3A_296 = tpu.vector_load %arg7[%swap3A_295] {strides = array<i32>} : memref<4096xi32, #tpu.memory_space<vmem>>, vector<16xi32>,
        tpu.vector_store %arg7[%swap3A_295], %convert_element_type3A_291 {strides = array<i32>} : memref<4096xi32, #tpu.memory_space<vmem>>, vector<16xi32>,
        %eq3A_297 = arith.constant 0 : i32
        %eq3A_298 = vector.broadcast %eq3A_297 : i32 to vector<16xi32>
        %eq3A_299 = arith.cmpi eq, %sub3A_294, %eq3A_298 : vector<16xi32>
        %jit3A_300 = arith.constant 0.000000e+00 : f32
        %broadcast_in_dim3A_301 = vector.broadcast %jit3A_300 : f32 to vector<16xf32>
        %select_n3A_302 = arith.select %eq3A_299, %gather3A_287, %broadcast_in_dim3A_301 : vector<16xi1>, vector<16xf32>
        %swap3A_303 = arith.index_cast %add3A_278 : i32 to index
        %swap3A_304 = tpu.vector_load %arg8[%swap3A_303] {strides = array<i32>} : memref<4096xf32, #tpu.memory_space<vmem>>, vector<16xf32>,
        tpu.vector_store %arg8[%swap3A_303], %select_n3A_302 {strides = array<i32>} : memref<4096xf32, #tpu.memory_space<vmem>>, vector<16xf32>,
      }
      %scan3A_54 = arith.constant 32 : i32
      %dma_start3A = arith.constant 0 : i32
      %dma_start3A_55 = tpu.memref_slice %arg14[%dma_start3A] : memref<33792xf32, #tpu.memory_space<vmem_shared>> -> memref<33792xf32, #tpu.memory_space<vmem_shared>>
      tpu.enqueue_indirect_dma source(%arg8 : memref<4096xf32, #tpu.memory_space<vmem>>) target(%dma_start3A_55 : memref<33792xf32, #tpu.memory_space<vmem_shared>>) offsets(%arg7 : memref<4096xi32, #tpu.memory_space<vmem>>) semaphore(%arg15 : memref<!tpu.dma_semaphore, #tpu.memory_space<semaphore_mem>>) {add = true}
      %gt3A_56 = arith.constant 0 : i32
      %gt3A_57 = arith.cmpi sgt, %scan3A_37, %gt3A_56 : i32
      %convert_element_type3A_58 = arith.extui %gt3A_57 : i1 to i32
      %cond3A_59 = arith.constant 0 : i32
      %cond3A_60 = arith.cmpi ne, %convert_element_type3A_58, %cond3A_59 : i32
      scf.if %cond3A_60 {
        %dma_wait3A_71 = arith.constant 0 : i32
        %dma_wait3A_72 = tpu.memref_slice %arg14[%dma_wait3A_71] : memref<33792xf32, #tpu.memory_space<vmem_shared>> -> memref<33792xf32, #tpu.memory_space<vmem_shared>>
        tpu.wait_indirect_dma semaphore(%arg16 : memref<!tpu.dma_semaphore, #tpu.memory_space<semaphore_mem>>) src(%arg10 : memref<4096xf32, #tpu.memory_space<vmem>>) dst(%dma_wait3A_72 : memref<33792xf32, #tpu.memory_space<vmem_shared>>)
      } else {
      }
      %add3A_61 = arith.constant 131072 : i32
      %add3A_62 = arith.addi %mul3A_44, %add3A_61 : i32
      "tpu.region"() ({
        %run_scoped3A = tpu.sem_alloc : memref<!tpu.dma_semaphore, #tpu.memory_space<semaphore_mem>>
        %dma_start3A_71 = arith.constant 0 : i32
        %dma_start3A_72 = tpu.memref_slice %arg3[%dma_start3A_71, %add3A_62] : memref<2x6399936xi32, #tpu.memory_space<hbm>> -> memref<2x4096xi32, #tpu.memory_space<hbm>>
        %dma_start3A_73 = arith.constant 0 : i32
        %dma_start3A_74 = tpu.memref_slice %arg3[%dma_start3A_73, %add3A_62] : memref<2x6399936xi32, #tpu.memory_space<hbm>> -> memref<2x4096xi32, #tpu.memory_space<hbm>>
        tpu.enqueue_dma source(%dma_start3A_74 : memref<2x4096xi32, #tpu.memory_space<hbm>>) target(%arg6 : memref<2x4096xi32, #tpu.memory_space<vmem>>) target_semaphore(%run_scoped3A : memref<!tpu.dma_semaphore, #tpu.memory_space<semaphore_mem>>)
        %dma_wait3A_75 = arith.constant 0 : i32
        %dma_wait3A_76 = tpu.memref_slice %arg3[%dma_wait3A_75, %add3A_62] : memref<2x6399936xi32, #tpu.memory_space<hbm>> -> memref<2x4096xi32, #tpu.memory_space<hbm>>
        %dma_wait3A_77 = arith.constant 0 : i32
        %dma_wait3A_78 = tpu.memref_slice %arg3[%dma_wait3A_77, %add3A_62] : memref<2x6399936xi32, #tpu.memory_space<hbm>> -> memref<2x4096xi32, #tpu.memory_space<hbm>>
        tpu.wait_dma2 semaphore(%run_scoped3A : memref<!tpu.dma_semaphore, #tpu.memory_space<semaphore_mem>>) src(%dma_wait3A_78 : memref<2x4096xi32, #tpu.memory_space<hbm>>) dst(%arg6 : memref<2x4096xi32, #tpu.memory_space<vmem>>)
        tpu.yield
      }) : () -> ()
      %scan3A_63 = arith.constant 0 : i32
      %scan3A_64 = arith.constant 0 : i32
      %scan3A_65 = arith.constant 32 : i32
      %scan3A_66 = arith.addi %scan3A_64, %scan3A_65 : i32
      %scan3A_67 = arith.constant 1 : i32
      scf.for %scan3A_71 = %scan3A_64 to %scan3A_66 step %scan3A_67  : i32 {
        %mul3A_72 = arith.constant 128 : i32
        %mul3A_73 = arith.muli %scan3A_71, %mul3A_72 : i32
        %add3A_74 = arith.constant 0 : i32
        %add3A_75 = arith.addi %mul3A_73, %add3A_74 : i32
        %get3A = arith.constant 0 : i32
        %get3A_76 = arith.index_cast %get3A : i32 to index
        %get3A_77 = arith.index_cast %add3A_75 : i32 to index
        %get3A_78 = tpu.vector_load %arg6[%get3A_76, %get3A_77] {strides = array<i32>} : memref<2x4096xi32, #tpu.memory_space<vmem>>, vector<16xi32>,
        %get3A_79 = arith.constant 1 : i32
        %get3A_80 = arith.index_cast %get3A_79 : i32 to index
        %get3A_81 = arith.index_cast %add3A_75 : i32 to index
        %get3A_82 = tpu.vector_load %arg6[%get3A_80, %get3A_81] {strides = array<i32>} : memref<2x4096xi32, #tpu.memory_space<vmem>>, vector<16xi32>,
        %gather3A = tpu.vector_load_idx %arg5[%get3A_78] : memref<100000xf32, #tpu.memory_space<vmem>>[vector<16xi32>], vector<16xf32>,
        %convert_element_type3A_83 = arith.sitofp %get3A_82 : vector<16xi32> to vector<16xf32>
        %mul3A_84 = vector.broadcast %scan3A_9 : f32 to vector<16xf32>
        %mul3A_85 = arith.mulf %convert_element_type3A_83, %mul3A_84 : vector<16xf32>
        %convert_element_type3A_86 = arith.fptosi %mul3A_85 : vector<16xf32> to vector<16xi32>
        %mul3A_87 = vector.broadcast %scan3A_10 : i32 to vector<16xi32>
        %mul3A_88 = arith.muli %convert_element_type3A_86, %mul3A_87 : vector<16xi32>
        %sub3A = arith.subi %get3A_82, %mul3A_88 : vector<16xi32>
        %swap3A = arith.index_cast %add3A_75 : i32 to index
        %swap3A_89 = tpu.vector_load %arg9[%swap3A] {strides = array<i32>} : memref<4096xi32, #tpu.memory_space<vmem>>, vector<16xi32>,
        tpu.vector_store %arg9[%swap3A], %convert_element_type3A_86 {strides = array<i32>} : memref<4096xi32, #tpu.memory_space<vmem>>, vector<16xi32>,
        %eq3A_90 = arith.constant 0 : i32
        %eq3A_91 = vector.broadcast %eq3A_90 : i32 to vector<16xi32>
        %eq3A_92 = arith.cmpi eq, %sub3A, %eq3A_91 : vector<16xi32>
        %jit3A = arith.constant 0.000000e+00 : f32
        %broadcast_in_dim3A = vector.broadcast %jit3A : f32 to vector<16xf32>
        %select_n3A = arith.select %eq3A_92, %gather3A, %broadcast_in_dim3A : vector<16xi1>, vector<16xf32>
        %swap3A_93 = arith.index_cast %add3A_75 : i32 to index
        %swap3A_94 = tpu.vector_load %arg10[%swap3A_93] {strides = array<i32>} : memref<4096xf32, #tpu.memory_space<vmem>>, vector<16xf32>,
        tpu.vector_store %arg10[%swap3A_93], %select_n3A {strides = array<i32>} : memref<4096xf32, #tpu.memory_space<vmem>>, vector<16xf32>,
        %mul3A_95 = arith.constant 128 : i32
        %mul3A_96 = arith.muli %scan3A_71, %mul3A_95 : i32
        %add3A_97 = arith.constant 16 : i32
        %add3A_98 = arith.addi %mul3A_96, %add3A_97 : i32
        %get3A_99 = arith.constant 0 : i32
        %get3A_100 = arith.index_cast %get3A_99 : i32 to index
        %get3A_101 = arith.index_cast %add3A_98 : i32 to index
        %get3A_102 = tpu.vector_load %arg6[%get3A_100, %get3A_101] {strides = array<i32>} : memref<2x4096xi32, #tpu.memory_space<vmem>>, vector<16xi32>,
        %get3A_103 = arith.constant 1 : i32
        %get3A_104 = arith.index_cast %get3A_103 : i32 to index
        %get3A_105 = arith.index_cast %add3A_98 : i32 to index
        %get3A_106 = tpu.vector_load %arg6[%get3A_104, %get3A_105] {strides = array<i32>} : memref<2x4096xi32, #tpu.memory_space<vmem>>, vector<16xi32>,
        %gather3A_107 = tpu.vector_load_idx %arg5[%get3A_102] : memref<100000xf32, #tpu.memory_space<vmem>>[vector<16xi32>], vector<16xf32>,
        %convert_element_type3A_108 = arith.sitofp %get3A_106 : vector<16xi32> to vector<16xf32>
        %mul3A_109 = vector.broadcast %scan3A_9 : f32 to vector<16xf32>
        %mul3A_110 = arith.mulf %convert_element_type3A_108, %mul3A_109 : vector<16xf32>
        %convert_element_type3A_111 = arith.fptosi %mul3A_110 : vector<16xf32> to vector<16xi32>
        %mul3A_112 = vector.broadcast %scan3A_10 : i32 to vector<16xi32>
        %mul3A_113 = arith.muli %convert_element_type3A_111, %mul3A_112 : vector<16xi32>
        %sub3A_114 = arith.subi %get3A_106, %mul3A_113 : vector<16xi32>
        %swap3A_115 = arith.index_cast %add3A_98 : i32 to index
        %swap3A_116 = tpu.vector_load %arg9[%swap3A_115] {strides = array<i32>} : memref<4096xi32, #tpu.memory_space<vmem>>, vector<16xi32>,
        tpu.vector_store %arg9[%swap3A_115], %convert_element_type3A_111 {strides = array<i32>} : memref<4096xi32, #tpu.memory_space<vmem>>, vector<16xi32>,
        %eq3A_117 = arith.constant 0 : i32
        %eq3A_118 = vector.broadcast %eq3A_117 : i32 to vector<16xi32>
        %eq3A_119 = arith.cmpi eq, %sub3A_114, %eq3A_118 : vector<16xi32>
        %jit3A_120 = arith.constant 0.000000e+00 : f32
        %broadcast_in_dim3A_121 = vector.broadcast %jit3A_120 : f32 to vector<16xf32>
        %select_n3A_122 = arith.select %eq3A_119, %gather3A_107, %broadcast_in_dim3A_121 : vector<16xi1>, vector<16xf32>
        %swap3A_123 = arith.index_cast %add3A_98 : i32 to index
        %swap3A_124 = tpu.vector_load %arg10[%swap3A_123] {strides = array<i32>} : memref<4096xf32, #tpu.memory_space<vmem>>, vector<16xf32>,
        tpu.vector_store %arg10[%swap3A_123], %select_n3A_122 {strides = array<i32>} : memref<4096xf32, #tpu.memory_space<vmem>>, vector<16xf32>,
        %mul3A_125 = arith.constant 128 : i32
        %mul3A_126 = arith.muli %scan3A_71, %mul3A_125 : i32
        %add3A_127 = arith.constant 32 : i32
        %add3A_128 = arith.addi %mul3A_126, %add3A_127 : i32
        %get3A_129 = arith.constant 0 : i32
        %get3A_130 = arith.index_cast %get3A_129 : i32 to index
        %get3A_131 = arith.index_cast %add3A_128 : i32 to index
        %get3A_132 = tpu.vector_load %arg6[%get3A_130, %get3A_131] {strides = array<i32>} : memref<2x4096xi32, #tpu.memory_space<vmem>>, vector<16xi32>,
        %get3A_133 = arith.constant 1 : i32
        %get3A_134 = arith.index_cast %get3A_133 : i32 to index
        %get3A_135 = arith.index_cast %add3A_128 : i32 to index
        %get3A_136 = tpu.vector_load %arg6[%get3A_134, %get3A_135] {strides = array<i32>} : memref<2x4096xi32, #tpu.memory_space<vmem>>, vector<16xi32>,
        %gather3A_137 = tpu.vector_load_idx %arg5[%get3A_132] : memref<100000xf32, #tpu.memory_space<vmem>>[vector<16xi32>], vector<16xf32>,
        %convert_element_type3A_138 = arith.sitofp %get3A_136 : vector<16xi32> to vector<16xf32>
        %mul3A_139 = vector.broadcast %scan3A_9 : f32 to vector<16xf32>
        %mul3A_140 = arith.mulf %convert_element_type3A_138, %mul3A_139 : vector<16xf32>
        %convert_element_type3A_141 = arith.fptosi %mul3A_140 : vector<16xf32> to vector<16xi32>
        %mul3A_142 = vector.broadcast %scan3A_10 : i32 to vector<16xi32>
        %mul3A_143 = arith.muli %convert_element_type3A_141, %mul3A_142 : vector<16xi32>
        %sub3A_144 = arith.subi %get3A_136, %mul3A_143 : vector<16xi32>
        %swap3A_145 = arith.index_cast %add3A_128 : i32 to index
        %swap3A_146 = tpu.vector_load %arg9[%swap3A_145] {strides = array<i32>} : memref<4096xi32, #tpu.memory_space<vmem>>, vector<16xi32>,
        tpu.vector_store %arg9[%swap3A_145], %convert_element_type3A_141 {strides = array<i32>} : memref<4096xi32, #tpu.memory_space<vmem>>, vector<16xi32>,
        %eq3A_147 = arith.constant 0 : i32
        %eq3A_148 = vector.broadcast %eq3A_147 : i32 to vector<16xi32>
        %eq3A_149 = arith.cmpi eq, %sub3A_144, %eq3A_148 : vector<16xi32>
        %jit3A_150 = arith.constant 0.000000e+00 : f32
        %broadcast_in_dim3A_151 = vector.broadcast %jit3A_150 : f32 to vector<16xf32>
        %select_n3A_152 = arith.select %eq3A_149, %gather3A_137, %broadcast_in_dim3A_151 : vector<16xi1>, vector<16xf32>
        %swap3A_153 = arith.index_cast %add3A_128 : i32 to index
        %swap3A_154 = tpu.vector_load %arg10[%swap3A_153] {strides = array<i32>} : memref<4096xf32, #tpu.memory_space<vmem>>, vector<16xf32>,
        tpu.vector_store %arg10[%swap3A_153], %select_n3A_152 {strides = array<i32>} : memref<4096xf32, #tpu.memory_space<vmem>>, vector<16xf32>,
        %mul3A_155 = arith.constant 128 : i32
        %mul3A_156 = arith.muli %scan3A_71, %mul3A_155 : i32
        %add3A_157 = arith.constant 48 : i32
        %add3A_158 = arith.addi %mul3A_156, %add3A_157 : i32
        %get3A_159 = arith.constant 0 : i32
        %get3A_160 = arith.index_cast %get3A_159 : i32 to index
        %get3A_161 = arith.index_cast %add3A_158 : i32 to index
        %get3A_162 = tpu.vector_load %arg6[%get3A_160, %get3A_161] {strides = array<i32>} : memref<2x4096xi32, #tpu.memory_space<vmem>>, vector<16xi32>,
        %get3A_163 = arith.constant 1 : i32
        %get3A_164 = arith.index_cast %get3A_163 : i32 to index
        %get3A_165 = arith.index_cast %add3A_158 : i32 to index
        %get3A_166 = tpu.vector_load %arg6[%get3A_164, %get3A_165] {strides = array<i32>} : memref<2x4096xi32, #tpu.memory_space<vmem>>, vector<16xi32>,
        %gather3A_167 = tpu.vector_load_idx %arg5[%get3A_162] : memref<100000xf32, #tpu.memory_space<vmem>>[vector<16xi32>], vector<16xf32>,
        %convert_element_type3A_168 = arith.sitofp %get3A_166 : vector<16xi32> to vector<16xf32>
        %mul3A_169 = vector.broadcast %scan3A_9 : f32 to vector<16xf32>
        %mul3A_170 = arith.mulf %convert_element_type3A_168, %mul3A_169 : vector<16xf32>
        %convert_element_type3A_171 = arith.fptosi %mul3A_170 : vector<16xf32> to vector<16xi32>
        %mul3A_172 = vector.broadcast %scan3A_10 : i32 to vector<16xi32>
        %mul3A_173 = arith.muli %convert_element_type3A_171, %mul3A_172 : vector<16xi32>
        %sub3A_174 = arith.subi %get3A_166, %mul3A_173 : vector<16xi32>
        %swap3A_175 = arith.index_cast %add3A_158 : i32 to index
        %swap3A_176 = tpu.vector_load %arg9[%swap3A_175] {strides = array<i32>} : memref<4096xi32, #tpu.memory_space<vmem>>, vector<16xi32>,
        tpu.vector_store %arg9[%swap3A_175], %convert_element_type3A_171 {strides = array<i32>} : memref<4096xi32, #tpu.memory_space<vmem>>, vector<16xi32>,
        %eq3A_177 = arith.constant 0 : i32
        %eq3A_178 = vector.broadcast %eq3A_177 : i32 to vector<16xi32>
        %eq3A_179 = arith.cmpi eq, %sub3A_174, %eq3A_178 : vector<16xi32>
        %jit3A_180 = arith.constant 0.000000e+00 : f32
        %broadcast_in_dim3A_181 = vector.broadcast %jit3A_180 : f32 to vector<16xf32>
        %select_n3A_182 = arith.select %eq3A_179, %gather3A_167, %broadcast_in_dim3A_181 : vector<16xi1>, vector<16xf32>
        %swap3A_183 = arith.index_cast %add3A_158 : i32 to index
        %swap3A_184 = tpu.vector_load %arg10[%swap3A_183] {strides = array<i32>} : memref<4096xf32, #tpu.memory_space<vmem>>, vector<16xf32>,
        tpu.vector_store %arg10[%swap3A_183], %select_n3A_182 {strides = array<i32>} : memref<4096xf32, #tpu.memory_space<vmem>>, vector<16xf32>,
        %mul3A_185 = arith.constant 128 : i32
        %mul3A_186 = arith.muli %scan3A_71, %mul3A_185 : i32
        %add3A_187 = arith.constant 64 : i32
        %add3A_188 = arith.addi %mul3A_186, %add3A_187 : i32
        %get3A_189 = arith.constant 0 : i32
        %get3A_190 = arith.index_cast %get3A_189 : i32 to index
        %get3A_191 = arith.index_cast %add3A_188 : i32 to index
        %get3A_192 = tpu.vector_load %arg6[%get3A_190, %get3A_191] {strides = array<i32>} : memref<2x4096xi32, #tpu.memory_space<vmem>>, vector<16xi32>,
        %get3A_193 = arith.constant 1 : i32
        %get3A_194 = arith.index_cast %get3A_193 : i32 to index
        %get3A_195 = arith.index_cast %add3A_188 : i32 to index
        %get3A_196 = tpu.vector_load %arg6[%get3A_194, %get3A_195] {strides = array<i32>} : memref<2x4096xi32, #tpu.memory_space<vmem>>, vector<16xi32>,
        %gather3A_197 = tpu.vector_load_idx %arg5[%get3A_192] : memref<100000xf32, #tpu.memory_space<vmem>>[vector<16xi32>], vector<16xf32>,
        %convert_element_type3A_198 = arith.sitofp %get3A_196 : vector<16xi32> to vector<16xf32>
        %mul3A_199 = vector.broadcast %scan3A_9 : f32 to vector<16xf32>
        %mul3A_200 = arith.mulf %convert_element_type3A_198, %mul3A_199 : vector<16xf32>
        %convert_element_type3A_201 = arith.fptosi %mul3A_200 : vector<16xf32> to vector<16xi32>
        %mul3A_202 = vector.broadcast %scan3A_10 : i32 to vector<16xi32>
        %mul3A_203 = arith.muli %convert_element_type3A_201, %mul3A_202 : vector<16xi32>
        %sub3A_204 = arith.subi %get3A_196, %mul3A_203 : vector<16xi32>
        %swap3A_205 = arith.index_cast %add3A_188 : i32 to index
        %swap3A_206 = tpu.vector_load %arg9[%swap3A_205] {strides = array<i32>} : memref<4096xi32, #tpu.memory_space<vmem>>, vector<16xi32>,
        tpu.vector_store %arg9[%swap3A_205], %convert_element_type3A_201 {strides = array<i32>} : memref<4096xi32, #tpu.memory_space<vmem>>, vector<16xi32>,
        %eq3A_207 = arith.constant 0 : i32
        %eq3A_208 = vector.broadcast %eq3A_207 : i32 to vector<16xi32>
        %eq3A_209 = arith.cmpi eq, %sub3A_204, %eq3A_208 : vector<16xi32>
        %jit3A_210 = arith.constant 0.000000e+00 : f32
        %broadcast_in_dim3A_211 = vector.broadcast %jit3A_210 : f32 to vector<16xf32>
        %select_n3A_212 = arith.select %eq3A_209, %gather3A_197, %broadcast_in_dim3A_211 : vector<16xi1>, vector<16xf32>
        %swap3A_213 = arith.index_cast %add3A_188 : i32 to index
        %swap3A_214 = tpu.vector_load %arg10[%swap3A_213] {strides = array<i32>} : memref<4096xf32, #tpu.memory_space<vmem>>, vector<16xf32>,
        tpu.vector_store %arg10[%swap3A_213], %select_n3A_212 {strides = array<i32>} : memref<4096xf32, #tpu.memory_space<vmem>>, vector<16xf32>,
        %mul3A_215 = arith.constant 128 : i32
        %mul3A_216 = arith.muli %scan3A_71, %mul3A_215 : i32
        %add3A_217 = arith.constant 80 : i32
        %add3A_218 = arith.addi %mul3A_216, %add3A_217 : i32
        %get3A_219 = arith.constant 0 : i32
        %get3A_220 = arith.index_cast %get3A_219 : i32 to index
        %get3A_221 = arith.index_cast %add3A_218 : i32 to index
        %get3A_222 = tpu.vector_load %arg6[%get3A_220, %get3A_221] {strides = array<i32>} : memref<2x4096xi32, #tpu.memory_space<vmem>>, vector<16xi32>,
        %get3A_223 = arith.constant 1 : i32
        %get3A_224 = arith.index_cast %get3A_223 : i32 to index
        %get3A_225 = arith.index_cast %add3A_218 : i32 to index
        %get3A_226 = tpu.vector_load %arg6[%get3A_224, %get3A_225] {strides = array<i32>} : memref<2x4096xi32, #tpu.memory_space<vmem>>, vector<16xi32>,
        %gather3A_227 = tpu.vector_load_idx %arg5[%get3A_222] : memref<100000xf32, #tpu.memory_space<vmem>>[vector<16xi32>], vector<16xf32>,
        %convert_element_type3A_228 = arith.sitofp %get3A_226 : vector<16xi32> to vector<16xf32>
        %mul3A_229 = vector.broadcast %scan3A_9 : f32 to vector<16xf32>
        %mul3A_230 = arith.mulf %convert_element_type3A_228, %mul3A_229 : vector<16xf32>
        %convert_element_type3A_231 = arith.fptosi %mul3A_230 : vector<16xf32> to vector<16xi32>
        %mul3A_232 = vector.broadcast %scan3A_10 : i32 to vector<16xi32>
        %mul3A_233 = arith.muli %convert_element_type3A_231, %mul3A_232 : vector<16xi32>
        %sub3A_234 = arith.subi %get3A_226, %mul3A_233 : vector<16xi32>
        %swap3A_235 = arith.index_cast %add3A_218 : i32 to index
        %swap3A_236 = tpu.vector_load %arg9[%swap3A_235] {strides = array<i32>} : memref<4096xi32, #tpu.memory_space<vmem>>, vector<16xi32>,
        tpu.vector_store %arg9[%swap3A_235], %convert_element_type3A_231 {strides = array<i32>} : memref<4096xi32, #tpu.memory_space<vmem>>, vector<16xi32>,
        %eq3A_237 = arith.constant 0 : i32
        %eq3A_238 = vector.broadcast %eq3A_237 : i32 to vector<16xi32>
        %eq3A_239 = arith.cmpi eq, %sub3A_234, %eq3A_238 : vector<16xi32>
        %jit3A_240 = arith.constant 0.000000e+00 : f32
        %broadcast_in_dim3A_241 = vector.broadcast %jit3A_240 : f32 to vector<16xf32>
        %select_n3A_242 = arith.select %eq3A_239, %gather3A_227, %broadcast_in_dim3A_241 : vector<16xi1>, vector<16xf32>
        %swap3A_243 = arith.index_cast %add3A_218 : i32 to index
        %swap3A_244 = tpu.vector_load %arg10[%swap3A_243] {strides = array<i32>} : memref<4096xf32, #tpu.memory_space<vmem>>, vector<16xf32>,
        tpu.vector_store %arg10[%swap3A_243], %select_n3A_242 {strides = array<i32>} : memref<4096xf32, #tpu.memory_space<vmem>>, vector<16xf32>,
        %mul3A_245 = arith.constant 128 : i32
        %mul3A_246 = arith.muli %scan3A_71, %mul3A_245 : i32
        %add3A_247 = arith.constant 96 : i32
        %add3A_248 = arith.addi %mul3A_246, %add3A_247 : i32
        %get3A_249 = arith.constant 0 : i32
        %get3A_250 = arith.index_cast %get3A_249 : i32 to index
        %get3A_251 = arith.index_cast %add3A_248 : i32 to index
        %get3A_252 = tpu.vector_load %arg6[%get3A_250, %get3A_251] {strides = array<i32>} : memref<2x4096xi32, #tpu.memory_space<vmem>>, vector<16xi32>,
        %get3A_253 = arith.constant 1 : i32
        %get3A_254 = arith.index_cast %get3A_253 : i32 to index
        %get3A_255 = arith.index_cast %add3A_248 : i32 to index
        %get3A_256 = tpu.vector_load %arg6[%get3A_254, %get3A_255] {strides = array<i32>} : memref<2x4096xi32, #tpu.memory_space<vmem>>, vector<16xi32>,
        %gather3A_257 = tpu.vector_load_idx %arg5[%get3A_252] : memref<100000xf32, #tpu.memory_space<vmem>>[vector<16xi32>], vector<16xf32>,
        %convert_element_type3A_258 = arith.sitofp %get3A_256 : vector<16xi32> to vector<16xf32>
        %mul3A_259 = vector.broadcast %scan3A_9 : f32 to vector<16xf32>
        %mul3A_260 = arith.mulf %convert_element_type3A_258, %mul3A_259 : vector<16xf32>
        %convert_element_type3A_261 = arith.fptosi %mul3A_260 : vector<16xf32> to vector<16xi32>
        %mul3A_262 = vector.broadcast %scan3A_10 : i32 to vector<16xi32>
        %mul3A_263 = arith.muli %convert_element_type3A_261, %mul3A_262 : vector<16xi32>
        %sub3A_264 = arith.subi %get3A_256, %mul3A_263 : vector<16xi32>
        %swap3A_265 = arith.index_cast %add3A_248 : i32 to index
        %swap3A_266 = tpu.vector_load %arg9[%swap3A_265] {strides = array<i32>} : memref<4096xi32, #tpu.memory_space<vmem>>, vector<16xi32>,
        tpu.vector_store %arg9[%swap3A_265], %convert_element_type3A_261 {strides = array<i32>} : memref<4096xi32, #tpu.memory_space<vmem>>, vector<16xi32>,
        %eq3A_267 = arith.constant 0 : i32
        %eq3A_268 = vector.broadcast %eq3A_267 : i32 to vector<16xi32>
        %eq3A_269 = arith.cmpi eq, %sub3A_264, %eq3A_268 : vector<16xi32>
        %jit3A_270 = arith.constant 0.000000e+00 : f32
        %broadcast_in_dim3A_271 = vector.broadcast %jit3A_270 : f32 to vector<16xf32>
        %select_n3A_272 = arith.select %eq3A_269, %gather3A_257, %broadcast_in_dim3A_271 : vector<16xi1>, vector<16xf32>
        %swap3A_273 = arith.index_cast %add3A_248 : i32 to index
        %swap3A_274 = tpu.vector_load %arg10[%swap3A_273] {strides = array<i32>} : memref<4096xf32, #tpu.memory_space<vmem>>, vector<16xf32>,
        tpu.vector_store %arg10[%swap3A_273], %select_n3A_272 {strides = array<i32>} : memref<4096xf32, #tpu.memory_space<vmem>>, vector<16xf32>,
        %mul3A_275 = arith.constant 128 : i32
        %mul3A_276 = arith.muli %scan3A_71, %mul3A_275 : i32
        %add3A_277 = arith.constant 112 : i32
        %add3A_278 = arith.addi %mul3A_276, %add3A_277 : i32
        %get3A_279 = arith.constant 0 : i32
        %get3A_280 = arith.index_cast %get3A_279 : i32 to index
        %get3A_281 = arith.index_cast %add3A_278 : i32 to index
        %get3A_282 = tpu.vector_load %arg6[%get3A_280, %get3A_281] {strides = array<i32>} : memref<2x4096xi32, #tpu.memory_space<vmem>>, vector<16xi32>,
        %get3A_283 = arith.constant 1 : i32
        %get3A_284 = arith.index_cast %get3A_283 : i32 to index
        %get3A_285 = arith.index_cast %add3A_278 : i32 to index
        %get3A_286 = tpu.vector_load %arg6[%get3A_284, %get3A_285] {strides = array<i32>} : memref<2x4096xi32, #tpu.memory_space<vmem>>, vector<16xi32>,
        %gather3A_287 = tpu.vector_load_idx %arg5[%get3A_282] : memref<100000xf32, #tpu.memory_space<vmem>>[vector<16xi32>], vector<16xf32>,
        %convert_element_type3A_288 = arith.sitofp %get3A_286 : vector<16xi32> to vector<16xf32>
        %mul3A_289 = vector.broadcast %scan3A_9 : f32 to vector<16xf32>
        %mul3A_290 = arith.mulf %convert_element_type3A_288, %mul3A_289 : vector<16xf32>
        %convert_element_type3A_291 = arith.fptosi %mul3A_290 : vector<16xf32> to vector<16xi32>
        %mul3A_292 = vector.broadcast %scan3A_10 : i32 to vector<16xi32>
        %mul3A_293 = arith.muli %convert_element_type3A_291, %mul3A_292 : vector<16xi32>
        %sub3A_294 = arith.subi %get3A_286, %mul3A_293 : vector<16xi32>
        %swap3A_295 = arith.index_cast %add3A_278 : i32 to index
        %swap3A_296 = tpu.vector_load %arg9[%swap3A_295] {strides = array<i32>} : memref<4096xi32, #tpu.memory_space<vmem>>, vector<16xi32>,
        tpu.vector_store %arg9[%swap3A_295], %convert_element_type3A_291 {strides = array<i32>} : memref<4096xi32, #tpu.memory_space<vmem>>, vector<16xi32>,
        %eq3A_297 = arith.constant 0 : i32
        %eq3A_298 = vector.broadcast %eq3A_297 : i32 to vector<16xi32>
        %eq3A_299 = arith.cmpi eq, %sub3A_294, %eq3A_298 : vector<16xi32>
        %jit3A_300 = arith.constant 0.000000e+00 : f32
        %broadcast_in_dim3A_301 = vector.broadcast %jit3A_300 : f32 to vector<16xf32>
        %select_n3A_302 = arith.select %eq3A_299, %gather3A_287, %broadcast_in_dim3A_301 : vector<16xi1>, vector<16xf32>
        %swap3A_303 = arith.index_cast %add3A_278 : i32 to index
        %swap3A_304 = tpu.vector_load %arg10[%swap3A_303] {strides = array<i32>} : memref<4096xf32, #tpu.memory_space<vmem>>, vector<16xf32>,
        tpu.vector_store %arg10[%swap3A_303], %select_n3A_302 {strides = array<i32>} : memref<4096xf32, #tpu.memory_space<vmem>>, vector<16xf32>,
      }
      %scan3A_68 = arith.constant 32 : i32
      %dma_start3A_69 = arith.constant 0 : i32
      %dma_start3A_70 = tpu.memref_slice %arg14[%dma_start3A_69] : memref<33792xf32, #tpu.memory_space<vmem_shared>> -> memref<33792xf32, #tpu.memory_space<vmem_shared>>
      tpu.enqueue_indirect_dma source(%arg10 : memref<4096xf32, #tpu.memory_space<vmem>>) target(%dma_start3A_70 : memref<33792xf32, #tpu.memory_space<vmem_shared>>) offsets(%arg9 : memref<4096xi32, #tpu.memory_space<vmem>>) semaphore(%arg16 : memref<!tpu.dma_semaphore, #tpu.memory_space<semaphore_mem>>) {add = true}
    }
    %scan3A_15 = arith.constant 24 : i32
    %dma_wait3A = arith.constant 0 : i32
    %dma_wait3A_16 = tpu.memref_slice %arg14[%dma_wait3A] : memref<33792xf32, #tpu.memory_space<vmem_shared>> -> memref<33792xf32, #tpu.memory_space<vmem_shared>>
    tpu.wait_indirect_dma semaphore(%arg15 : memref<!tpu.dma_semaphore, #tpu.memory_space<semaphore_mem>>) src(%arg8 : memref<4096xf32, #tpu.memory_space<vmem>>) dst(%dma_wait3A_16 : memref<33792xf32, #tpu.memory_space<vmem_shared>>)
    %dma_wait3A_17 = arith.constant 0 : i32
    %dma_wait3A_18 = tpu.memref_slice %arg14[%dma_wait3A_17] : memref<33792xf32, #tpu.memory_space<vmem_shared>> -> memref<33792xf32, #tpu.memory_space<vmem_shared>>
    tpu.wait_indirect_dma semaphore(%arg16 : memref<!tpu.dma_semaphore, #tpu.memory_space<semaphore_mem>>) src(%arg10 : memref<4096xf32, #tpu.memory_space<vmem>>) dst(%dma_wait3A_18 : memref<33792xf32, #tpu.memory_space<vmem_shared>>)
    %lt3A = arith.constant 26 : i32
    %lt3A_19 = arith.cmpi slt, %add3A, %lt3A : i32
    %convert_element_type3A = arith.extui %lt3A_19 : i1 to i32
    %cond3A = arith.constant 0.333333343 : f32
    %cond3A_20 = arith.constant 3 : i32
    %cond3A_21 = arith.constant 0 : i32
    %cond3A_22 = arith.cmpi ne, %convert_element_type3A, %cond3A_21 : i32
    scf.if %cond3A_22 {
      %add3A_37 = arith.constant 1536 : i32
      %add3A_38 = arith.addi %add3A_37, %add3A : i32
      %mul3A_39 = arith.constant 4096 : i32
      %mul3A_40 = arith.muli %add3A_38, %mul3A_39 : i32
      "tpu.region"() ({
        %run_scoped3A = tpu.sem_alloc : memref<!tpu.dma_semaphore, #tpu.memory_space<semaphore_mem>>
        %dma_start3A = arith.constant 0 : i32
        %dma_start3A_47 = tpu.memref_slice %arg3[%dma_start3A, %mul3A_40] : memref<2x6399936xi32, #tpu.memory_space<hbm>> -> memref<2x4096xi32, #tpu.memory_space<hbm>>
        %dma_start3A_48 = arith.constant 0 : i32
        %dma_start3A_49 = tpu.memref_slice %arg3[%dma_start3A_48, %mul3A_40] : memref<2x6399936xi32, #tpu.memory_space<hbm>> -> memref<2x4096xi32, #tpu.memory_space<hbm>>
        tpu.enqueue_dma source(%dma_start3A_49 : memref<2x4096xi32, #tpu.memory_space<hbm>>) target(%arg6 : memref<2x4096xi32, #tpu.memory_space<vmem>>) target_semaphore(%run_scoped3A : memref<!tpu.dma_semaphore, #tpu.memory_space<semaphore_mem>>)
        %dma_wait3A_50 = arith.constant 0 : i32
        %dma_wait3A_51 = tpu.memref_slice %arg3[%dma_wait3A_50, %mul3A_40] : memref<2x6399936xi32, #tpu.memory_space<hbm>> -> memref<2x4096xi32, #tpu.memory_space<hbm>>
        %dma_wait3A_52 = arith.constant 0 : i32
        %dma_wait3A_53 = tpu.memref_slice %arg3[%dma_wait3A_52, %mul3A_40] : memref<2x6399936xi32, #tpu.memory_space<hbm>> -> memref<2x4096xi32, #tpu.memory_space<hbm>>
        tpu.wait_dma2 semaphore(%run_scoped3A : memref<!tpu.dma_semaphore, #tpu.memory_space<semaphore_mem>>) src(%dma_wait3A_53 : memref<2x4096xi32, #tpu.memory_space<hbm>>) dst(%arg6 : memref<2x4096xi32, #tpu.memory_space<vmem>>)
        tpu.yield
      }) : () -> ()
      %scan3A_41 = arith.constant 0 : i32
      %scan3A_42 = arith.constant 0 : i32
      %scan3A_43 = arith.constant 32 : i32
      %scan3A_44 = arith.addi %scan3A_42, %scan3A_43 : i32
      %scan3A_45 = arith.constant 1 : i32
      scf.for %scan3A_47 = %scan3A_42 to %scan3A_44 step %scan3A_45  : i32 {
        %mul3A_48 = arith.constant 128 : i32
        %mul3A_49 = arith.muli %scan3A_47, %mul3A_48 : i32
        %add3A_50 = arith.constant 0 : i32
        %add3A_51 = arith.addi %mul3A_49, %add3A_50 : i32
        %get3A = arith.constant 0 : i32
        %get3A_52 = arith.index_cast %get3A : i32 to index
        %get3A_53 = arith.index_cast %add3A_51 : i32 to index
        %get3A_54 = tpu.vector_load %arg6[%get3A_52, %get3A_53] {strides = array<i32>} : memref<2x4096xi32, #tpu.memory_space<vmem>>, vector<16xi32>,
        %get3A_55 = arith.constant 1 : i32
        %get3A_56 = arith.index_cast %get3A_55 : i32 to index
        %get3A_57 = arith.index_cast %add3A_51 : i32 to index
        %get3A_58 = tpu.vector_load %arg6[%get3A_56, %get3A_57] {strides = array<i32>} : memref<2x4096xi32, #tpu.memory_space<vmem>>, vector<16xi32>,
        %gather3A = tpu.vector_load_idx %arg5[%get3A_54] : memref<100000xf32, #tpu.memory_space<vmem>>[vector<16xi32>], vector<16xf32>,
        %convert_element_type3A_59 = arith.sitofp %get3A_58 : vector<16xi32> to vector<16xf32>
        %mul3A_60 = vector.broadcast %cond3A : f32 to vector<16xf32>
        %mul3A_61 = arith.mulf %convert_element_type3A_59, %mul3A_60 : vector<16xf32>
        %convert_element_type3A_62 = arith.fptosi %mul3A_61 : vector<16xf32> to vector<16xi32>
        %mul3A_63 = vector.broadcast %cond3A_20 : i32 to vector<16xi32>
        %mul3A_64 = arith.muli %convert_element_type3A_62, %mul3A_63 : vector<16xi32>
        %sub3A = arith.subi %get3A_58, %mul3A_64 : vector<16xi32>
        %swap3A = arith.index_cast %add3A_51 : i32 to index
        %swap3A_65 = tpu.vector_load %arg7[%swap3A] {strides = array<i32>} : memref<4096xi32, #tpu.memory_space<vmem>>, vector<16xi32>,
        tpu.vector_store %arg7[%swap3A], %convert_element_type3A_62 {strides = array<i32>} : memref<4096xi32, #tpu.memory_space<vmem>>, vector<16xi32>,
        %eq3A_66 = arith.constant 0 : i32
        %eq3A_67 = vector.broadcast %eq3A_66 : i32 to vector<16xi32>
        %eq3A_68 = arith.cmpi eq, %sub3A, %eq3A_67 : vector<16xi32>
        %jit3A = arith.constant 0.000000e+00 : f32
        %broadcast_in_dim3A = vector.broadcast %jit3A : f32 to vector<16xf32>
        %select_n3A = arith.select %eq3A_68, %gather3A, %broadcast_in_dim3A : vector<16xi1>, vector<16xf32>
        %swap3A_69 = arith.index_cast %add3A_51 : i32 to index
        %swap3A_70 = tpu.vector_load %arg8[%swap3A_69] {strides = array<i32>} : memref<4096xf32, #tpu.memory_space<vmem>>, vector<16xf32>,
        tpu.vector_store %arg8[%swap3A_69], %select_n3A {strides = array<i32>} : memref<4096xf32, #tpu.memory_space<vmem>>, vector<16xf32>,
        %mul3A_71 = arith.constant 128 : i32
        %mul3A_72 = arith.muli %scan3A_47, %mul3A_71 : i32
        %add3A_73 = arith.constant 16 : i32
        %add3A_74 = arith.addi %mul3A_72, %add3A_73 : i32
        %get3A_75 = arith.constant 0 : i32
        %get3A_76 = arith.index_cast %get3A_75 : i32 to index
        %get3A_77 = arith.index_cast %add3A_74 : i32 to index
        %get3A_78 = tpu.vector_load %arg6[%get3A_76, %get3A_77] {strides = array<i32>} : memref<2x4096xi32, #tpu.memory_space<vmem>>, vector<16xi32>,
        %get3A_79 = arith.constant 1 : i32
        %get3A_80 = arith.index_cast %get3A_79 : i32 to index
        %get3A_81 = arith.index_cast %add3A_74 : i32 to index
        %get3A_82 = tpu.vector_load %arg6[%get3A_80, %get3A_81] {strides = array<i32>} : memref<2x4096xi32, #tpu.memory_space<vmem>>, vector<16xi32>,
        %gather3A_83 = tpu.vector_load_idx %arg5[%get3A_78] : memref<100000xf32, #tpu.memory_space<vmem>>[vector<16xi32>], vector<16xf32>,
        %convert_element_type3A_84 = arith.sitofp %get3A_82 : vector<16xi32> to vector<16xf32>
        %mul3A_85 = vector.broadcast %cond3A : f32 to vector<16xf32>
        %mul3A_86 = arith.mulf %convert_element_type3A_84, %mul3A_85 : vector<16xf32>
        %convert_element_type3A_87 = arith.fptosi %mul3A_86 : vector<16xf32> to vector<16xi32>
        %mul3A_88 = vector.broadcast %cond3A_20 : i32 to vector<16xi32>
        %mul3A_89 = arith.muli %convert_element_type3A_87, %mul3A_88 : vector<16xi32>
        %sub3A_90 = arith.subi %get3A_82, %mul3A_89 : vector<16xi32>
        %swap3A_91 = arith.index_cast %add3A_74 : i32 to index
        %swap3A_92 = tpu.vector_load %arg7[%swap3A_91] {strides = array<i32>} : memref<4096xi32, #tpu.memory_space<vmem>>, vector<16xi32>,
        tpu.vector_store %arg7[%swap3A_91], %convert_element_type3A_87 {strides = array<i32>} : memref<4096xi32, #tpu.memory_space<vmem>>, vector<16xi32>,
        %eq3A_93 = arith.constant 0 : i32
        %eq3A_94 = vector.broadcast %eq3A_93 : i32 to vector<16xi32>
        %eq3A_95 = arith.cmpi eq, %sub3A_90, %eq3A_94 : vector<16xi32>
        %jit3A_96 = arith.constant 0.000000e+00 : f32
        %broadcast_in_dim3A_97 = vector.broadcast %jit3A_96 : f32 to vector<16xf32>
        %select_n3A_98 = arith.select %eq3A_95, %gather3A_83, %broadcast_in_dim3A_97 : vector<16xi1>, vector<16xf32>
        %swap3A_99 = arith.index_cast %add3A_74 : i32 to index
        %swap3A_100 = tpu.vector_load %arg8[%swap3A_99] {strides = array<i32>} : memref<4096xf32, #tpu.memory_space<vmem>>, vector<16xf32>,
        tpu.vector_store %arg8[%swap3A_99], %select_n3A_98 {strides = array<i32>} : memref<4096xf32, #tpu.memory_space<vmem>>, vector<16xf32>,
        %mul3A_101 = arith.constant 128 : i32
        %mul3A_102 = arith.muli %scan3A_47, %mul3A_101 : i32
        %add3A_103 = arith.constant 32 : i32
        %add3A_104 = arith.addi %mul3A_102, %add3A_103 : i32
        %get3A_105 = arith.constant 0 : i32
        %get3A_106 = arith.index_cast %get3A_105 : i32 to index
        %get3A_107 = arith.index_cast %add3A_104 : i32 to index
        %get3A_108 = tpu.vector_load %arg6[%get3A_106, %get3A_107] {strides = array<i32>} : memref<2x4096xi32, #tpu.memory_space<vmem>>, vector<16xi32>,
        %get3A_109 = arith.constant 1 : i32
        %get3A_110 = arith.index_cast %get3A_109 : i32 to index
        %get3A_111 = arith.index_cast %add3A_104 : i32 to index
        %get3A_112 = tpu.vector_load %arg6[%get3A_110, %get3A_111] {strides = array<i32>} : memref<2x4096xi32, #tpu.memory_space<vmem>>, vector<16xi32>,
        %gather3A_113 = tpu.vector_load_idx %arg5[%get3A_108] : memref<100000xf32, #tpu.memory_space<vmem>>[vector<16xi32>], vector<16xf32>,
        %convert_element_type3A_114 = arith.sitofp %get3A_112 : vector<16xi32> to vector<16xf32>
        %mul3A_115 = vector.broadcast %cond3A : f32 to vector<16xf32>
        %mul3A_116 = arith.mulf %convert_element_type3A_114, %mul3A_115 : vector<16xf32>
        %convert_element_type3A_117 = arith.fptosi %mul3A_116 : vector<16xf32> to vector<16xi32>
        %mul3A_118 = vector.broadcast %cond3A_20 : i32 to vector<16xi32>
        %mul3A_119 = arith.muli %convert_element_type3A_117, %mul3A_118 : vector<16xi32>
        %sub3A_120 = arith.subi %get3A_112, %mul3A_119 : vector<16xi32>
        %swap3A_121 = arith.index_cast %add3A_104 : i32 to index
        %swap3A_122 = tpu.vector_load %arg7[%swap3A_121] {strides = array<i32>} : memref<4096xi32, #tpu.memory_space<vmem>>, vector<16xi32>,
        tpu.vector_store %arg7[%swap3A_121], %convert_element_type3A_117 {strides = array<i32>} : memref<4096xi32, #tpu.memory_space<vmem>>, vector<16xi32>,
        %eq3A_123 = arith.constant 0 : i32
        %eq3A_124 = vector.broadcast %eq3A_123 : i32 to vector<16xi32>
        %eq3A_125 = arith.cmpi eq, %sub3A_120, %eq3A_124 : vector<16xi32>
        %jit3A_126 = arith.constant 0.000000e+00 : f32
        %broadcast_in_dim3A_127 = vector.broadcast %jit3A_126 : f32 to vector<16xf32>
        %select_n3A_128 = arith.select %eq3A_125, %gather3A_113, %broadcast_in_dim3A_127 : vector<16xi1>, vector<16xf32>
        %swap3A_129 = arith.index_cast %add3A_104 : i32 to index
        %swap3A_130 = tpu.vector_load %arg8[%swap3A_129] {strides = array<i32>} : memref<4096xf32, #tpu.memory_space<vmem>>, vector<16xf32>,
        tpu.vector_store %arg8[%swap3A_129], %select_n3A_128 {strides = array<i32>} : memref<4096xf32, #tpu.memory_space<vmem>>, vector<16xf32>,
        %mul3A_131 = arith.constant 128 : i32
        %mul3A_132 = arith.muli %scan3A_47, %mul3A_131 : i32
        %add3A_133 = arith.constant 48 : i32
        %add3A_134 = arith.addi %mul3A_132, %add3A_133 : i32
        %get3A_135 = arith.constant 0 : i32
        %get3A_136 = arith.index_cast %get3A_135 : i32 to index
        %get3A_137 = arith.index_cast %add3A_134 : i32 to index
        %get3A_138 = tpu.vector_load %arg6[%get3A_136, %get3A_137] {strides = array<i32>} : memref<2x4096xi32, #tpu.memory_space<vmem>>, vector<16xi32>,
        %get3A_139 = arith.constant 1 : i32
        %get3A_140 = arith.index_cast %get3A_139 : i32 to index
        %get3A_141 = arith.index_cast %add3A_134 : i32 to index
        %get3A_142 = tpu.vector_load %arg6[%get3A_140, %get3A_141] {strides = array<i32>} : memref<2x4096xi32, #tpu.memory_space<vmem>>, vector<16xi32>,
        %gather3A_143 = tpu.vector_load_idx %arg5[%get3A_138] : memref<100000xf32, #tpu.memory_space<vmem>>[vector<16xi32>], vector<16xf32>,
        %convert_element_type3A_144 = arith.sitofp %get3A_142 : vector<16xi32> to vector<16xf32>
        %mul3A_145 = vector.broadcast %cond3A : f32 to vector<16xf32>
        %mul3A_146 = arith.mulf %convert_element_type3A_144, %mul3A_145 : vector<16xf32>
        %convert_element_type3A_147 = arith.fptosi %mul3A_146 : vector<16xf32> to vector<16xi32>
        %mul3A_148 = vector.broadcast %cond3A_20 : i32 to vector<16xi32>
        %mul3A_149 = arith.muli %convert_element_type3A_147, %mul3A_148 : vector<16xi32>
        %sub3A_150 = arith.subi %get3A_142, %mul3A_149 : vector<16xi32>
        %swap3A_151 = arith.index_cast %add3A_134 : i32 to index
        %swap3A_152 = tpu.vector_load %arg7[%swap3A_151] {strides = array<i32>} : memref<4096xi32, #tpu.memory_space<vmem>>, vector<16xi32>,
        tpu.vector_store %arg7[%swap3A_151], %convert_element_type3A_147 {strides = array<i32>} : memref<4096xi32, #tpu.memory_space<vmem>>, vector<16xi32>,
        %eq3A_153 = arith.constant 0 : i32
        %eq3A_154 = vector.broadcast %eq3A_153 : i32 to vector<16xi32>
        %eq3A_155 = arith.cmpi eq, %sub3A_150, %eq3A_154 : vector<16xi32>
        %jit3A_156 = arith.constant 0.000000e+00 : f32
        %broadcast_in_dim3A_157 = vector.broadcast %jit3A_156 : f32 to vector<16xf32>
        %select_n3A_158 = arith.select %eq3A_155, %gather3A_143, %broadcast_in_dim3A_157 : vector<16xi1>, vector<16xf32>
        %swap3A_159 = arith.index_cast %add3A_134 : i32 to index
        %swap3A_160 = tpu.vector_load %arg8[%swap3A_159] {strides = array<i32>} : memref<4096xf32, #tpu.memory_space<vmem>>, vector<16xf32>,
        tpu.vector_store %arg8[%swap3A_159], %select_n3A_158 {strides = array<i32>} : memref<4096xf32, #tpu.memory_space<vmem>>, vector<16xf32>,
        %mul3A_161 = arith.constant 128 : i32
        %mul3A_162 = arith.muli %scan3A_47, %mul3A_161 : i32
        %add3A_163 = arith.constant 64 : i32
        %add3A_164 = arith.addi %mul3A_162, %add3A_163 : i32
        %get3A_165 = arith.constant 0 : i32
        %get3A_166 = arith.index_cast %get3A_165 : i32 to index
        %get3A_167 = arith.index_cast %add3A_164 : i32 to index
        %get3A_168 = tpu.vector_load %arg6[%get3A_166, %get3A_167] {strides = array<i32>} : memref<2x4096xi32, #tpu.memory_space<vmem>>, vector<16xi32>,
        %get3A_169 = arith.constant 1 : i32
        %get3A_170 = arith.index_cast %get3A_169 : i32 to index
        %get3A_171 = arith.index_cast %add3A_164 : i32 to index
        %get3A_172 = tpu.vector_load %arg6[%get3A_170, %get3A_171] {strides = array<i32>} : memref<2x4096xi32, #tpu.memory_space<vmem>>, vector<16xi32>,
        %gather3A_173 = tpu.vector_load_idx %arg5[%get3A_168] : memref<100000xf32, #tpu.memory_space<vmem>>[vector<16xi32>], vector<16xf32>,
        %convert_element_type3A_174 = arith.sitofp %get3A_172 : vector<16xi32> to vector<16xf32>
        %mul3A_175 = vector.broadcast %cond3A : f32 to vector<16xf32>
        %mul3A_176 = arith.mulf %convert_element_type3A_174, %mul3A_175 : vector<16xf32>
        %convert_element_type3A_177 = arith.fptosi %mul3A_176 : vector<16xf32> to vector<16xi32>
        %mul3A_178 = vector.broadcast %cond3A_20 : i32 to vector<16xi32>
        %mul3A_179 = arith.muli %convert_element_type3A_177, %mul3A_178 : vector<16xi32>
        %sub3A_180 = arith.subi %get3A_172, %mul3A_179 : vector<16xi32>
        %swap3A_181 = arith.index_cast %add3A_164 : i32 to index
        %swap3A_182 = tpu.vector_load %arg7[%swap3A_181] {strides = array<i32>} : memref<4096xi32, #tpu.memory_space<vmem>>, vector<16xi32>,
        tpu.vector_store %arg7[%swap3A_181], %convert_element_type3A_177 {strides = array<i32>} : memref<4096xi32, #tpu.memory_space<vmem>>, vector<16xi32>,
        %eq3A_183 = arith.constant 0 : i32
        %eq3A_184 = vector.broadcast %eq3A_183 : i32 to vector<16xi32>
        %eq3A_185 = arith.cmpi eq, %sub3A_180, %eq3A_184 : vector<16xi32>
        %jit3A_186 = arith.constant 0.000000e+00 : f32
        %broadcast_in_dim3A_187 = vector.broadcast %jit3A_186 : f32 to vector<16xf32>
        %select_n3A_188 = arith.select %eq3A_185, %gather3A_173, %broadcast_in_dim3A_187 : vector<16xi1>, vector<16xf32>
        %swap3A_189 = arith.index_cast %add3A_164 : i32 to index
        %swap3A_190 = tpu.vector_load %arg8[%swap3A_189] {strides = array<i32>} : memref<4096xf32, #tpu.memory_space<vmem>>, vector<16xf32>,
        tpu.vector_store %arg8[%swap3A_189], %select_n3A_188 {strides = array<i32>} : memref<4096xf32, #tpu.memory_space<vmem>>, vector<16xf32>,
        %mul3A_191 = arith.constant 128 : i32
        %mul3A_192 = arith.muli %scan3A_47, %mul3A_191 : i32
        %add3A_193 = arith.constant 80 : i32
        %add3A_194 = arith.addi %mul3A_192, %add3A_193 : i32
        %get3A_195 = arith.constant 0 : i32
        %get3A_196 = arith.index_cast %get3A_195 : i32 to index
        %get3A_197 = arith.index_cast %add3A_194 : i32 to index
        %get3A_198 = tpu.vector_load %arg6[%get3A_196, %get3A_197] {strides = array<i32>} : memref<2x4096xi32, #tpu.memory_space<vmem>>, vector<16xi32>,
        %get3A_199 = arith.constant 1 : i32
        %get3A_200 = arith.index_cast %get3A_199 : i32 to index
        %get3A_201 = arith.index_cast %add3A_194 : i32 to index
        %get3A_202 = tpu.vector_load %arg6[%get3A_200, %get3A_201] {strides = array<i32>} : memref<2x4096xi32, #tpu.memory_space<vmem>>, vector<16xi32>,
        %gather3A_203 = tpu.vector_load_idx %arg5[%get3A_198] : memref<100000xf32, #tpu.memory_space<vmem>>[vector<16xi32>], vector<16xf32>,
        %convert_element_type3A_204 = arith.sitofp %get3A_202 : vector<16xi32> to vector<16xf32>
        %mul3A_205 = vector.broadcast %cond3A : f32 to vector<16xf32>
        %mul3A_206 = arith.mulf %convert_element_type3A_204, %mul3A_205 : vector<16xf32>
        %convert_element_type3A_207 = arith.fptosi %mul3A_206 : vector<16xf32> to vector<16xi32>
        %mul3A_208 = vector.broadcast %cond3A_20 : i32 to vector<16xi32>
        %mul3A_209 = arith.muli %convert_element_type3A_207, %mul3A_208 : vector<16xi32>
        %sub3A_210 = arith.subi %get3A_202, %mul3A_209 : vector<16xi32>
        %swap3A_211 = arith.index_cast %add3A_194 : i32 to index
        %swap3A_212 = tpu.vector_load %arg7[%swap3A_211] {strides = array<i32>} : memref<4096xi32, #tpu.memory_space<vmem>>, vector<16xi32>,
        tpu.vector_store %arg7[%swap3A_211], %convert_element_type3A_207 {strides = array<i32>} : memref<4096xi32, #tpu.memory_space<vmem>>, vector<16xi32>,
        %eq3A_213 = arith.constant 0 : i32
        %eq3A_214 = vector.broadcast %eq3A_213 : i32 to vector<16xi32>
        %eq3A_215 = arith.cmpi eq, %sub3A_210, %eq3A_214 : vector<16xi32>
        %jit3A_216 = arith.constant 0.000000e+00 : f32
        %broadcast_in_dim3A_217 = vector.broadcast %jit3A_216 : f32 to vector<16xf32>
        %select_n3A_218 = arith.select %eq3A_215, %gather3A_203, %broadcast_in_dim3A_217 : vector<16xi1>, vector<16xf32>
        %swap3A_219 = arith.index_cast %add3A_194 : i32 to index
        %swap3A_220 = tpu.vector_load %arg8[%swap3A_219] {strides = array<i32>} : memref<4096xf32, #tpu.memory_space<vmem>>, vector<16xf32>,
        tpu.vector_store %arg8[%swap3A_219], %select_n3A_218 {strides = array<i32>} : memref<4096xf32, #tpu.memory_space<vmem>>, vector<16xf32>,
        %mul3A_221 = arith.constant 128 : i32
        %mul3A_222 = arith.muli %scan3A_47, %mul3A_221 : i32
        %add3A_223 = arith.constant 96 : i32
        %add3A_224 = arith.addi %mul3A_222, %add3A_223 : i32
        %get3A_225 = arith.constant 0 : i32
        %get3A_226 = arith.index_cast %get3A_225 : i32 to index
        %get3A_227 = arith.index_cast %add3A_224 : i32 to index
        %get3A_228 = tpu.vector_load %arg6[%get3A_226, %get3A_227] {strides = array<i32>} : memref<2x4096xi32, #tpu.memory_space<vmem>>, vector<16xi32>,
        %get3A_229 = arith.constant 1 : i32
        %get3A_230 = arith.index_cast %get3A_229 : i32 to index
        %get3A_231 = arith.index_cast %add3A_224 : i32 to index
        %get3A_232 = tpu.vector_load %arg6[%get3A_230, %get3A_231] {strides = array<i32>} : memref<2x4096xi32, #tpu.memory_space<vmem>>, vector<16xi32>,
        %gather3A_233 = tpu.vector_load_idx %arg5[%get3A_228] : memref<100000xf32, #tpu.memory_space<vmem>>[vector<16xi32>], vector<16xf32>,
        %convert_element_type3A_234 = arith.sitofp %get3A_232 : vector<16xi32> to vector<16xf32>
        %mul3A_235 = vector.broadcast %cond3A : f32 to vector<16xf32>
        %mul3A_236 = arith.mulf %convert_element_type3A_234, %mul3A_235 : vector<16xf32>
        %convert_element_type3A_237 = arith.fptosi %mul3A_236 : vector<16xf32> to vector<16xi32>
        %mul3A_238 = vector.broadcast %cond3A_20 : i32 to vector<16xi32>
        %mul3A_239 = arith.muli %convert_element_type3A_237, %mul3A_238 : vector<16xi32>
        %sub3A_240 = arith.subi %get3A_232, %mul3A_239 : vector<16xi32>
        %swap3A_241 = arith.index_cast %add3A_224 : i32 to index
        %swap3A_242 = tpu.vector_load %arg7[%swap3A_241] {strides = array<i32>} : memref<4096xi32, #tpu.memory_space<vmem>>, vector<16xi32>,
        tpu.vector_store %arg7[%swap3A_241], %convert_element_type3A_237 {strides = array<i32>} : memref<4096xi32, #tpu.memory_space<vmem>>, vector<16xi32>,
        %eq3A_243 = arith.constant 0 : i32
        %eq3A_244 = vector.broadcast %eq3A_243 : i32 to vector<16xi32>
        %eq3A_245 = arith.cmpi eq, %sub3A_240, %eq3A_244 : vector<16xi32>
        %jit3A_246 = arith.constant 0.000000e+00 : f32
        %broadcast_in_dim3A_247 = vector.broadcast %jit3A_246 : f32 to vector<16xf32>
        %select_n3A_248 = arith.select %eq3A_245, %gather3A_233, %broadcast_in_dim3A_247 : vector<16xi1>, vector<16xf32>
        %swap3A_249 = arith.index_cast %add3A_224 : i32 to index
        %swap3A_250 = tpu.vector_load %arg8[%swap3A_249] {strides = array<i32>} : memref<4096xf32, #tpu.memory_space<vmem>>, vector<16xf32>,
        tpu.vector_store %arg8[%swap3A_249], %select_n3A_248 {strides = array<i32>} : memref<4096xf32, #tpu.memory_space<vmem>>, vector<16xf32>,
        %mul3A_251 = arith.constant 128 : i32
        %mul3A_252 = arith.muli %scan3A_47, %mul3A_251 : i32
        %add3A_253 = arith.constant 112 : i32
        %add3A_254 = arith.addi %mul3A_252, %add3A_253 : i32
        %get3A_255 = arith.constant 0 : i32
        %get3A_256 = arith.index_cast %get3A_255 : i32 to index
        %get3A_257 = arith.index_cast %add3A_254 : i32 to index
        %get3A_258 = tpu.vector_load %arg6[%get3A_256, %get3A_257] {strides = array<i32>} : memref<2x4096xi32, #tpu.memory_space<vmem>>, vector<16xi32>,
        %get3A_259 = arith.constant 1 : i32
        %get3A_260 = arith.index_cast %get3A_259 : i32 to index
        %get3A_261 = arith.index_cast %add3A_254 : i32 to index
        %get3A_262 = tpu.vector_load %arg6[%get3A_260, %get3A_261] {strides = array<i32>} : memref<2x4096xi32, #tpu.memory_space<vmem>>, vector<16xi32>,
        %gather3A_263 = tpu.vector_load_idx %arg5[%get3A_258] : memref<100000xf32, #tpu.memory_space<vmem>>[vector<16xi32>], vector<16xf32>,
        %convert_element_type3A_264 = arith.sitofp %get3A_262 : vector<16xi32> to vector<16xf32>
        %mul3A_265 = vector.broadcast %cond3A : f32 to vector<16xf32>
        %mul3A_266 = arith.mulf %convert_element_type3A_264, %mul3A_265 : vector<16xf32>
        %convert_element_type3A_267 = arith.fptosi %mul3A_266 : vector<16xf32> to vector<16xi32>
        %mul3A_268 = vector.broadcast %cond3A_20 : i32 to vector<16xi32>
        %mul3A_269 = arith.muli %convert_element_type3A_267, %mul3A_268 : vector<16xi32>
        %sub3A_270 = arith.subi %get3A_262, %mul3A_269 : vector<16xi32>
        %swap3A_271 = arith.index_cast %add3A_254 : i32 to index
        %swap3A_272 = tpu.vector_load %arg7[%swap3A_271] {strides = array<i32>} : memref<4096xi32, #tpu.memory_space<vmem>>, vector<16xi32>,
        tpu.vector_store %arg7[%swap3A_271], %convert_element_type3A_267 {strides = array<i32>} : memref<4096xi32, #tpu.memory_space<vmem>>, vector<16xi32>,
        %eq3A_273 = arith.constant 0 : i32
        %eq3A_274 = vector.broadcast %eq3A_273 : i32 to vector<16xi32>
        %eq3A_275 = arith.cmpi eq, %sub3A_270, %eq3A_274 : vector<16xi32>
        %jit3A_276 = arith.constant 0.000000e+00 : f32
        %broadcast_in_dim3A_277 = vector.broadcast %jit3A_276 : f32 to vector<16xf32>
        %select_n3A_278 = arith.select %eq3A_275, %gather3A_263, %broadcast_in_dim3A_277 : vector<16xi1>, vector<16xf32>
        %swap3A_279 = arith.index_cast %add3A_254 : i32 to index
        %swap3A_280 = tpu.vector_load %arg8[%swap3A_279] {strides = array<i32>} : memref<4096xf32, #tpu.memory_space<vmem>>, vector<16xf32>,
        tpu.vector_store %arg8[%swap3A_279], %select_n3A_278 {strides = array<i32>} : memref<4096xf32, #tpu.memory_space<vmem>>, vector<16xf32>,
      }
      %scan3A_46 = arith.constant 32 : i32
      "tpu.region"() ({
        %run_scoped3A = tpu.sem_alloc : memref<!tpu.dma_semaphore, #tpu.memory_space<semaphore_mem>>
        %dma_start3A = arith.constant 0 : i32
        %dma_start3A_47 = tpu.memref_slice %arg14[%dma_start3A] : memref<33792xf32, #tpu.memory_space<vmem_shared>> -> memref<33792xf32, #tpu.memory_space<vmem_shared>>
        tpu.enqueue_indirect_dma source(%arg8 : memref<4096xf32, #tpu.memory_space<vmem>>) target(%dma_start3A_47 : memref<33792xf32, #tpu.memory_space<vmem_shared>>) offsets(%arg7 : memref<4096xi32, #tpu.memory_space<vmem>>) semaphore(%run_scoped3A : memref<!tpu.dma_semaphore, #tpu.memory_space<semaphore_mem>>) {add = true}
        %dma_wait3A_48 = arith.constant 0 : i32
        %dma_wait3A_49 = tpu.memref_slice %arg14[%dma_wait3A_48] : memref<33792xf32, #tpu.memory_space<vmem_shared>> -> memref<33792xf32, #tpu.memory_space<vmem_shared>>
        tpu.wait_indirect_dma semaphore(%run_scoped3A : memref<!tpu.dma_semaphore, #tpu.memory_space<semaphore_mem>>) src(%arg8 : memref<4096xf32, #tpu.memory_space<vmem>>) dst(%dma_wait3A_49 : memref<33792xf32, #tpu.memory_space<vmem_shared>>)
        tpu.yield
      }) : () -> ()
    } else {
    }
    %eq3A = arith.constant 31 : i32
    %eq3A_23 = arith.cmpi eq, %add3A, %eq3A : i32
    %convert_element_type3A_24 = arith.extui %eq3A_23 : i1 to i32
    %cond3A_25 = arith.constant 0.333333343 : f32
    %cond3A_26 = arith.constant 3 : i32
    %cond3A_27 = arith.constant 0 : i32
    %cond3A_28 = arith.cmpi ne, %convert_element_type3A_24, %cond3A_27 : i32
    scf.if %cond3A_28 {
      "tpu.region"() ({
        %run_scoped3A = tpu.sem_alloc : memref<!tpu.dma_semaphore, #tpu.memory_space<semaphore_mem>>
        %dma_start3A = arith.constant 0 : i32
        %dma_start3A_49 = arith.constant 0 : i32
        %dma_start3A_50 = tpu.memref_slice %arg6[%dma_start3A, %dma_start3A_49] : memref<2x4096xi32, #tpu.memory_space<vmem>> -> memref<2x1920xi32, #tpu.memory_space<vmem>>
        %dma_start3A_51 = arith.constant 0 : i32
        %dma_start3A_52 = arith.constant 6397952 : i32
        %dma_start3A_53 = tpu.memref_slice %arg3[%dma_start3A_51, %dma_start3A_52] : memref<2x6399936xi32, #tpu.memory_space<hbm>> -> memref<2x1920xi32, #tpu.memory_space<hbm>>
        %dma_start3A_54 = arith.constant 0 : i32
        %dma_start3A_55 = arith.constant 0 : i32
        %dma_start3A_56 = tpu.memref_slice %arg6[%dma_start3A_54, %dma_start3A_55] : memref<2x4096xi32, #tpu.memory_space<vmem>> -> memref<2x1920xi32, #tpu.memory_space<vmem>>
        %dma_start3A_57 = arith.constant 0 : i32
        %dma_start3A_58 = arith.constant 6397952 : i32
        %dma_start3A_59 = tpu.memref_slice %arg3[%dma_start3A_57, %dma_start3A_58] : memref<2x6399936xi32, #tpu.memory_space<hbm>> -> memref<2x1920xi32, #tpu.memory_space<hbm>>
        tpu.enqueue_dma source(%dma_start3A_59 : memref<2x1920xi32, #tpu.memory_space<hbm>>) target(%dma_start3A_56 : memref<2x1920xi32, #tpu.memory_space<vmem>>) target_semaphore(%run_scoped3A : memref<!tpu.dma_semaphore, #tpu.memory_space<semaphore_mem>>)
        %dma_wait3A_60 = arith.constant 0 : i32
        %dma_wait3A_61 = arith.constant 0 : i32
        %dma_wait3A_62 = tpu.memref_slice %arg6[%dma_wait3A_60, %dma_wait3A_61] : memref<2x4096xi32, #tpu.memory_space<vmem>> -> memref<2x1920xi32, #tpu.memory_space<vmem>>
        %dma_wait3A_63 = arith.constant 0 : i32
        %dma_wait3A_64 = arith.constant 6397952 : i32
        %dma_wait3A_65 = tpu.memref_slice %arg3[%dma_wait3A_63, %dma_wait3A_64] : memref<2x6399936xi32, #tpu.memory_space<hbm>> -> memref<2x1920xi32, #tpu.memory_space<hbm>>
        %dma_wait3A_66 = arith.constant 0 : i32
        %dma_wait3A_67 = arith.constant 0 : i32
        %dma_wait3A_68 = tpu.memref_slice %arg6[%dma_wait3A_66, %dma_wait3A_67] : memref<2x4096xi32, #tpu.memory_space<vmem>> -> memref<2x1920xi32, #tpu.memory_space<vmem>>
        %dma_wait3A_69 = arith.constant 0 : i32
        %dma_wait3A_70 = arith.constant 6397952 : i32
        %dma_wait3A_71 = tpu.memref_slice %arg3[%dma_wait3A_69, %dma_wait3A_70] : memref<2x6399936xi32, #tpu.memory_space<hbm>> -> memref<2x1920xi32, #tpu.memory_space<hbm>>
        tpu.wait_dma2 semaphore(%run_scoped3A : memref<!tpu.dma_semaphore, #tpu.memory_space<semaphore_mem>>) src(%dma_wait3A_71 : memref<2x1920xi32, #tpu.memory_space<hbm>>) dst(%dma_wait3A_68 : memref<2x1920xi32, #tpu.memory_space<vmem>>)
        tpu.yield
      }) : () -> ()
      %scan3A_37 = arith.constant 0 : i32
      %scan3A_38 = arith.constant 0 : i32
      %scan3A_39 = arith.constant 60 : i32
      %scan3A_40 = arith.addi %scan3A_38, %scan3A_39 : i32
      %scan3A_41 = arith.constant 1 : i32
      scf.for %scan3A_49 = %scan3A_38 to %scan3A_40 step %scan3A_41  : i32 {
        %mul3A_50 = arith.constant 16 : i32
        %mul3A_51 = arith.muli %scan3A_49, %mul3A_50 : i32
        %add3A_52 = arith.constant 0 : i32
        %add3A_53 = arith.addi %add3A_52, %mul3A_51 : i32
        %mul3A_54 = arith.constant 16 : i32
        %mul3A_55 = arith.muli %scan3A_49, %mul3A_54 : i32
        %get3A = arith.constant 0 : i32
        %get3A_56 = arith.index_cast %get3A : i32 to index
        %get3A_57 = arith.index_cast %add3A_53 : i32 to index
        %get3A_58 = tpu.vector_load %arg6[%get3A_56, %get3A_57] {strides = array<i32>} : memref<2x4096xi32, #tpu.memory_space<vmem>>, vector<16xi32>,
        %get3A_59 = arith.constant 1 : i32
        %get3A_60 = arith.index_cast %get3A_59 : i32 to index
        %get3A_61 = arith.index_cast %add3A_53 : i32 to index
        %get3A_62 = tpu.vector_load %arg6[%get3A_60, %get3A_61] {strides = array<i32>} : memref<2x4096xi32, #tpu.memory_space<vmem>>, vector<16xi32>,
        %gather3A = tpu.vector_load_idx %arg5[%get3A_58] : memref<100000xf32, #tpu.memory_space<vmem>>[vector<16xi32>], vector<16xf32>,
        %convert_element_type3A_63 = arith.sitofp %get3A_62 : vector<16xi32> to vector<16xf32>
        %mul3A_64 = vector.broadcast %cond3A_25 : f32 to vector<16xf32>
        %mul3A_65 = arith.mulf %convert_element_type3A_63, %mul3A_64 : vector<16xf32>
        %convert_element_type3A_66 = arith.fptosi %mul3A_65 : vector<16xf32> to vector<16xi32>
        %mul3A_67 = vector.broadcast %cond3A_26 : i32 to vector<16xi32>
        %mul3A_68 = arith.muli %convert_element_type3A_66, %mul3A_67 : vector<16xi32>
        %sub3A = arith.subi %get3A_62, %mul3A_68 : vector<16xi32>
        %swap3A = arith.index_cast %mul3A_55 : i32 to index
        %swap3A_69 = tpu.vector_load %arg11[%swap3A] {strides = array<i32>} : memref<960xi32, #tpu.memory_space<vmem>>, vector<16xi32>,
        tpu.vector_store %arg11[%swap3A], %convert_element_type3A_66 {strides = array<i32>} : memref<960xi32, #tpu.memory_space<vmem>>, vector<16xi32>,
        %eq3A_70 = arith.constant 0 : i32
        %eq3A_71 = vector.broadcast %eq3A_70 : i32 to vector<16xi32>
        %eq3A_72 = arith.cmpi eq, %sub3A, %eq3A_71 : vector<16xi32>
        %jit3A = arith.constant 0.000000e+00 : f32
        %broadcast_in_dim3A = vector.broadcast %jit3A : f32 to vector<16xf32>
        %select_n3A = arith.select %eq3A_72, %gather3A, %broadcast_in_dim3A : vector<16xi1>, vector<16xf32>
        %swap3A_73 = arith.index_cast %mul3A_55 : i32 to index
        %swap3A_74 = tpu.vector_load %arg12[%swap3A_73] {strides = array<i32>} : memref<960xf32, #tpu.memory_space<vmem>>, vector<16xf32>,
        tpu.vector_store %arg12[%swap3A_73], %select_n3A {strides = array<i32>} : memref<960xf32, #tpu.memory_space<vmem>>, vector<16xf32>,
      }
      %scan3A_42 = arith.constant 60 : i32
      "tpu.region"() ({
        %run_scoped3A = tpu.sem_alloc : memref<!tpu.dma_semaphore, #tpu.memory_space<semaphore_mem>>
        %dma_start3A = arith.constant 0 : i32
        %dma_start3A_49 = tpu.memref_slice %arg14[%dma_start3A] : memref<33792xf32, #tpu.memory_space<vmem_shared>> -> memref<33792xf32, #tpu.memory_space<vmem_shared>>
        tpu.enqueue_indirect_dma source(%arg12 : memref<960xf32, #tpu.memory_space<vmem>>) target(%dma_start3A_49 : memref<33792xf32, #tpu.memory_space<vmem_shared>>) offsets(%arg11 : memref<960xi32, #tpu.memory_space<vmem>>) semaphore(%run_scoped3A : memref<!tpu.dma_semaphore, #tpu.memory_space<semaphore_mem>>) {add = true}
        %dma_wait3A_50 = arith.constant 0 : i32
        %dma_wait3A_51 = tpu.memref_slice %arg14[%dma_wait3A_50] : memref<33792xf32, #tpu.memory_space<vmem_shared>> -> memref<33792xf32, #tpu.memory_space<vmem_shared>>
        tpu.wait_indirect_dma semaphore(%run_scoped3A : memref<!tpu.dma_semaphore, #tpu.memory_space<semaphore_mem>>) src(%arg12 : memref<960xf32, #tpu.memory_space<vmem>>) dst(%dma_wait3A_51 : memref<33792xf32, #tpu.memory_space<vmem_shared>>)
        tpu.yield
      }) : () -> ()
      %scan3A_43 = arith.constant 0 : i32
      %scan3A_44 = arith.constant 0 : i32
      %scan3A_45 = arith.constant 60 : i32
      %scan3A_46 = arith.addi %scan3A_44, %scan3A_45 : i32
      %scan3A_47 = arith.constant 1 : i32
      scf.for %scan3A_49 = %scan3A_44 to %scan3A_46 step %scan3A_47  : i32 {
        %mul3A_50 = arith.constant 16 : i32
        %mul3A_51 = arith.muli %scan3A_49, %mul3A_50 : i32
        %add3A_52 = arith.constant 960 : i32
        %add3A_53 = arith.addi %add3A_52, %mul3A_51 : i32
        %mul3A_54 = arith.constant 16 : i32
        %mul3A_55 = arith.muli %scan3A_49, %mul3A_54 : i32
        %get3A = arith.constant 0 : i32
        %get3A_56 = arith.index_cast %get3A : i32 to index
        %get3A_57 = arith.index_cast %add3A_53 : i32 to index
        %get3A_58 = tpu.vector_load %arg6[%get3A_56, %get3A_57] {strides = array<i32>} : memref<2x4096xi32, #tpu.memory_space<vmem>>, vector<16xi32>,
        %get3A_59 = arith.constant 1 : i32
        %get3A_60 = arith.index_cast %get3A_59 : i32 to index
        %get3A_61 = arith.index_cast %add3A_53 : i32 to index
        %get3A_62 = tpu.vector_load %arg6[%get3A_60, %get3A_61] {strides = array<i32>} : memref<2x4096xi32, #tpu.memory_space<vmem>>, vector<16xi32>,
        %gather3A = tpu.vector_load_idx %arg5[%get3A_58] : memref<100000xf32, #tpu.memory_space<vmem>>[vector<16xi32>], vector<16xf32>,
        %convert_element_type3A_63 = arith.sitofp %get3A_62 : vector<16xi32> to vector<16xf32>
        %mul3A_64 = vector.broadcast %cond3A_25 : f32 to vector<16xf32>
        %mul3A_65 = arith.mulf %convert_element_type3A_63, %mul3A_64 : vector<16xf32>
        %convert_element_type3A_66 = arith.fptosi %mul3A_65 : vector<16xf32> to vector<16xi32>
        %mul3A_67 = vector.broadcast %cond3A_26 : i32 to vector<16xi32>
        %mul3A_68 = arith.muli %convert_element_type3A_66, %mul3A_67 : vector<16xi32>
        %sub3A = arith.subi %get3A_62, %mul3A_68 : vector<16xi32>
        %swap3A = arith.index_cast %mul3A_55 : i32 to index
        %swap3A_69 = tpu.vector_load %arg11[%swap3A] {strides = array<i32>} : memref<960xi32, #tpu.memory_space<vmem>>, vector<16xi32>,
        tpu.vector_store %arg11[%swap3A], %convert_element_type3A_66 {strides = array<i32>} : memref<960xi32, #tpu.memory_space<vmem>>, vector<16xi32>,
        %eq3A_70 = arith.constant 0 : i32
        %eq3A_71 = vector.broadcast %eq3A_70 : i32 to vector<16xi32>
        %eq3A_72 = arith.cmpi eq, %sub3A, %eq3A_71 : vector<16xi32>
        %jit3A = arith.constant 0.000000e+00 : f32
        %broadcast_in_dim3A = vector.broadcast %jit3A : f32 to vector<16xf32>
        %select_n3A = arith.select %eq3A_72, %gather3A, %broadcast_in_dim3A : vector<16xi1>, vector<16xf32>
        %swap3A_73 = arith.index_cast %mul3A_55 : i32 to index
        %swap3A_74 = tpu.vector_load %arg12[%swap3A_73] {strides = array<i32>} : memref<960xf32, #tpu.memory_space<vmem>>, vector<16xf32>,
        tpu.vector_store %arg12[%swap3A_73], %select_n3A {strides = array<i32>} : memref<960xf32, #tpu.memory_space<vmem>>, vector<16xf32>,
      }
      %scan3A_48 = arith.constant 60 : i32
      "tpu.region"() ({
        %run_scoped3A = tpu.sem_alloc : memref<!tpu.dma_semaphore, #tpu.memory_space<semaphore_mem>>
        %dma_start3A = arith.constant 0 : i32
        %dma_start3A_49 = tpu.memref_slice %arg14[%dma_start3A] : memref<33792xf32, #tpu.memory_space<vmem_shared>> -> memref<33792xf32, #tpu.memory_space<vmem_shared>>
        tpu.enqueue_indirect_dma source(%arg12 : memref<960xf32, #tpu.memory_space<vmem>>) target(%dma_start3A_49 : memref<33792xf32, #tpu.memory_space<vmem_shared>>) offsets(%arg11 : memref<960xi32, #tpu.memory_space<vmem>>) semaphore(%run_scoped3A : memref<!tpu.dma_semaphore, #tpu.memory_space<semaphore_mem>>) {add = true}
        %dma_wait3A_50 = arith.constant 0 : i32
        %dma_wait3A_51 = tpu.memref_slice %arg14[%dma_wait3A_50] : memref<33792xf32, #tpu.memory_space<vmem_shared>> -> memref<33792xf32, #tpu.memory_space<vmem_shared>>
        tpu.wait_indirect_dma semaphore(%run_scoped3A : memref<!tpu.dma_semaphore, #tpu.memory_space<semaphore_mem>>) src(%arg12 : memref<960xf32, #tpu.memory_space<vmem>>) dst(%dma_wait3A_51 : memref<33792xf32, #tpu.memory_space<vmem_shared>>)
        tpu.yield
      }) : () -> ()
    } else {
    }
    %barrier3A_29 = arith.constant 0 : index
    tpu.barrier barrier_id(%barrier3A_29)
    %mul3A_30 = arith.constant 2112 : i32
    %mul3A_31 = arith.muli %arg1, %mul3A_30 : i32
    "tpu.region"() ({
      %run_scoped3A = tpu.sem_alloc : memref<!tpu.dma_semaphore, #tpu.memory_space<semaphore_mem>>
      %dma_start3A = tpu.memref_slice %arg14[%mul3A_31] : memref<33792xf32, #tpu.memory_space<vmem_shared>> -> memref<2112xf32, #tpu.memory_space<vmem_shared>>
      %dma_start3A_37 = tpu.memref_slice %arg14[%mul3A_31] : memref<33792xf32, #tpu.memory_space<vmem_shared>> -> memref<2112xf32, #tpu.memory_space<vmem_shared>>
      tpu.enqueue_dma source(%dma_start3A_37 : memref<2112xf32, #tpu.memory_space<vmem_shared>>) target(%arg13 : memref<2112xf32, #tpu.memory_space<vmem>>) target_semaphore(%run_scoped3A : memref<!tpu.dma_semaphore, #tpu.memory_space<semaphore_mem>>)
      %dma_wait3A_38 = tpu.memref_slice %arg14[%mul3A_31] : memref<33792xf32, #tpu.memory_space<vmem_shared>> -> memref<2112xf32, #tpu.memory_space<vmem_shared>>
      %dma_wait3A_39 = tpu.memref_slice %arg14[%mul3A_31] : memref<33792xf32, #tpu.memory_space<vmem_shared>> -> memref<2112xf32, #tpu.memory_space<vmem_shared>>
      tpu.wait_dma2 semaphore(%run_scoped3A : memref<!tpu.dma_semaphore, #tpu.memory_space<semaphore_mem>>) src(%dma_wait3A_39 : memref<2112xf32, #tpu.memory_space<vmem_shared>>) dst(%arg13 : memref<2112xf32, #tpu.memory_space<vmem>>)
      tpu.yield
    }) : () -> ()
    %mul3A_32 = arith.constant 33792 : i32
    %mul3A_33 = arith.muli %arg0, %mul3A_32 : i32
    %mul3A_34 = arith.constant 2112 : i32
    %mul3A_35 = arith.muli %arg1, %mul3A_34 : i32
    %add3A_36 = arith.addi %mul3A_33, %mul3A_35 : i32
    "tpu.region"() ({
      %run_scoped3A = tpu.sem_alloc : memref<!tpu.dma_semaphore, #tpu.memory_space<semaphore_mem>>
      %dma_start3A = tpu.memref_slice %arg4[%add3A_36] : memref<67584xf32, #tpu.memory_space<hbm>> -> memref<2112xf32, #tpu.memory_space<hbm>>
      %dma_start3A_37 = tpu.memref_slice %arg4[%add3A_36] : memref<67584xf32, #tpu.memory_space<hbm>> -> memref<2112xf32, #tpu.memory_space<hbm>>
      tpu.enqueue_dma source(%arg13 : memref<2112xf32, #tpu.memory_space<vmem>>) target(%dma_start3A_37 : memref<2112xf32, #tpu.memory_space<hbm>>) target_semaphore(%run_scoped3A : memref<!tpu.dma_semaphore, #tpu.memory_space<semaphore_mem>>)
      %dma_wait3A_38 = tpu.memref_slice %arg4[%add3A_36] : memref<67584xf32, #tpu.memory_space<hbm>> -> memref<2112xf32, #tpu.memory_space<hbm>>
      %dma_wait3A_39 = tpu.memref_slice %arg4[%add3A_36] : memref<67584xf32, #tpu.memory_space<hbm>> -> memref<2112xf32, #tpu.memory_space<hbm>>
      tpu.wait_dma2 semaphore(%run_scoped3A : memref<!tpu.dma_semaphore, #tpu.memory_space<semaphore_mem>>) src(%arg13 : memref<2112xf32, #tpu.memory_space<vmem>>) dst(%dma_wait3A_39 : memref<2112xf32, #tpu.memory_space<hbm>>)
      tpu.yield
    }) : () -> ()
    return
  }
}

module attributes {stable_mosaic.version = 14 : i64} {
  func.func @_combine(%arg0: memref<16xf32, #tpu.memory_space<smem>>, %arg1: memref<64xi32, #tpu.memory_space<smem>>, %arg2: memref<64xf32, #tpu.memory_space<smem>>, %arg3: memref<264x128xf32, #tpu.memory_space<vmem>>, %arg4: memref<264x128xf32, #tpu.memory_space<vmem>>, %arg5: memref<264x128xf32, #tpu.memory_space<vmem>>, %arg6: memref<264x128xf32, #tpu.memory_space<vmem>>) attributes {dimension_semantics = [], scalar_prefetch = 0 : i64, scratch_operands = 0 : i64, tpu.core_type = #tpu.core_type<tc>} {
    %get3A = arith.constant 0 : index
    %get3A_0 = memref.load %arg0[%get3A] : memref<16xf32, #tpu.memory_space<smem>>
    %get3A_1 = arith.constant 1 : index
    %get3A_2 = memref.load %arg0[%get3A_1] : memref<16xf32, #tpu.memory_space<smem>>
    %get3A_3 = arith.constant 2 : index
    %get3A_4 = memref.load %arg0[%get3A_3] : memref<16xf32, #tpu.memory_space<smem>>
    %get3A_5 = arith.constant 3 : index
    %get3A_6 = memref.load %arg0[%get3A_5] : memref<16xf32, #tpu.memory_space<smem>>
    %get3A_7 = arith.constant 4 : index
    %get3A_8 = memref.load %arg0[%get3A_7] : memref<16xf32, #tpu.memory_space<smem>>
    %get3A_9 = arith.constant 5 : index
    %get3A_10 = memref.load %arg0[%get3A_9] : memref<16xf32, #tpu.memory_space<smem>>
    %get3A_11 = arith.constant 6 : index
    %get3A_12 = memref.load %arg0[%get3A_11] : memref<16xf32, #tpu.memory_space<smem>>
    %get3A_13 = arith.constant 7 : index
    %get3A_14 = memref.load %arg0[%get3A_13] : memref<16xf32, #tpu.memory_space<smem>>
    %get3A_15 = arith.constant 8 : index
    %get3A_16 = memref.load %arg0[%get3A_15] : memref<16xf32, #tpu.memory_space<smem>>
    %iota3A = tpu.iota {dimensions = array<i32: 0>} : vector<264x128xi32>
    %mul3A = arith.constant 128 : i32
    %mul3A_17 = vector.broadcast %mul3A : i32 to vector<264x128xi32>
    %mul3A_18 = arith.muli %iota3A, %mul3A_17 : vector<264x128xi32>
    %iota3A_19 = tpu.iota {dimensions = array<i32: 1>} : vector<264x128xi32>
    %add3A = arith.addi %mul3A_18, %iota3A_19 : vector<264x128xi32>
    %broadcast_in_dim3A = arith.constant 0.000000e+00 : f32
    %broadcast_in_dim3A_20 = vector.broadcast %broadcast_in_dim3A : f32 to vector<264x128xf32>
    %scan3A = arith.constant 0 : i32
    %scan3A_21 = arith.constant 64 : i32
    %scan3A_22 = arith.addi %scan3A, %scan3A_21 : i32
    %scan3A_23 = arith.constant 1 : i32
    %scan3A_24 = scf.for %scan3A_64 = %scan3A to %scan3A_22 step %scan3A_23 iter_args(%scan3A_65 = %broadcast_in_dim3A_20) -> (vector<264x128xf32>)  : i32 {
      %get3A_66 = arith.index_cast %scan3A_64 : i32 to index
      %get3A_67 = memref.load %arg1[%get3A_66] : memref<64xi32, #tpu.memory_space<smem>>
      %eq3A = vector.broadcast %get3A_67 : i32 to vector<264x128xi32>
      %eq3A_68 = arith.cmpi eq, %add3A, %eq3A : vector<264x128xi32>
      %get3A_69 = arith.index_cast %scan3A_64 : i32 to index
      %get3A_70 = memref.load %arg2[%get3A_69] : memref<64xf32, #tpu.memory_space<smem>>
      %jit3A = arith.constant 0.000000e+00 : f32
      %broadcast_in_dim3A_71 = vector.broadcast %get3A_70 : f32 to vector<264x128xf32>
      %broadcast_in_dim3A_72 = vector.broadcast %jit3A : f32 to vector<264x128xf32>
      %select_n3A = arith.select %eq3A_68, %broadcast_in_dim3A_71, %broadcast_in_dim3A_72 : vector<264x128xi1>, vector<264x128xf32>
      %add3A_73 = arith.addf %scan3A_65, %select_n3A : vector<264x128xf32>
      scf.yield %add3A_73 : vector<264x128xf32>
    }
    %scan3A_25 = arith.constant 64 : i32
    %get3A_26 = arith.constant 0 : index
    %get3A_27 = arith.constant 0 : index
    %get3A_28 = vector.load %arg3[%get3A_26, %get3A_27] : memref<264x128xf32, #tpu.memory_space<vmem>>, vector<264x128xf32>
    %get3A_29 = arith.constant 0 : index
    %get3A_30 = arith.constant 0 : index
    %get3A_31 = vector.load %arg4[%get3A_29, %get3A_30] : memref<264x128xf32, #tpu.memory_space<vmem>>, vector<264x128xf32>
    %add3A_32 = arith.addf %get3A_28, %get3A_31 : vector<264x128xf32>
    %add3A_33 = arith.addf %add3A_32, %scan3A_24 : vector<264x128xf32>
    %mul3A_34 = vector.broadcast %get3A_0 : f32 to vector<264x128xf32>
    %mul3A_35 = arith.mulf %mul3A_34, %add3A_33 : vector<264x128xf32>
    %get3A_36 = arith.constant 0 : index
    %get3A_37 = arith.constant 0 : index
    %get3A_38 = vector.load %arg5[%get3A_36, %get3A_37] : memref<264x128xf32, #tpu.memory_space<vmem>>, vector<264x128xf32>
    %mul3A_39 = vector.broadcast %get3A_2 : f32 to vector<264x128xf32>
    %mul3A_40 = arith.mulf %mul3A_39, %get3A_38 : vector<264x128xf32>
    %add3A_41 = arith.addf %mul3A_35, %mul3A_40 : vector<264x128xf32>
    %mul3A_42 = vector.broadcast %get3A_4 : f32 to vector<264x128xf32>
    %mul3A_43 = arith.mulf %mul3A_42, %add3A_41 : vector<264x128xf32>
    %add3A_44 = vector.broadcast %get3A_8 : f32 to vector<264x128xf32>
    %add3A_45 = arith.addf %mul3A_43, %add3A_44 : vector<264x128xf32>
    %max3A = arith.constant 0.000000e+00 : f32
    %max3A_46 = vector.broadcast %max3A : f32 to vector<264x128xf32>
    %max3A_47 = arith.maximumf %add3A_45, %max3A_46 : vector<264x128xf32>
    %mul3A_48 = vector.broadcast %get3A_6 : f32 to vector<264x128xf32>
    %mul3A_49 = arith.mulf %mul3A_48, %add3A_41 : vector<264x128xf32>
    %add3A_50 = vector.broadcast %get3A_10 : f32 to vector<264x128xf32>
    %add3A_51 = arith.addf %mul3A_49, %add3A_50 : vector<264x128xf32>
    %max3A_52 = arith.constant 0.000000e+00 : f32
    %max3A_53 = vector.broadcast %max3A_52 : f32 to vector<264x128xf32>
    %max3A_54 = arith.maximumf %add3A_51, %max3A_53 : vector<264x128xf32>
    %mul3A_55 = vector.broadcast %get3A_12 : f32 to vector<264x128xf32>
    %mul3A_56 = arith.mulf %mul3A_55, %max3A_47 : vector<264x128xf32>
    %mul3A_57 = vector.broadcast %get3A_14 : f32 to vector<264x128xf32>
    %mul3A_58 = arith.mulf %mul3A_57, %max3A_54 : vector<264x128xf32>
    %add3A_59 = arith.addf %mul3A_56, %mul3A_58 : vector<264x128xf32>
    %add3A_60 = vector.broadcast %get3A_16 : f32 to vector<264x128xf32>
    %add3A_61 = arith.addf %add3A_59, %add3A_60 : vector<264x128xf32>
    %swap3A = arith.constant 0 : index
    %swap3A_62 = arith.constant 0 : index
    %swap3A_63 = vector.load %arg6[%swap3A, %swap3A_62] : memref<264x128xf32, #tpu.memory_space<vmem>>, vector<264x128xf32>
    tpu.vector_store %arg6[%swap3A, %swap3A_62], %add3A_61 {strides = array<i32>} : memref<264x128xf32, #tpu.memory_space<vmem>>, vector<264x128xf32>,
    return
  }
}

</mosaic_0001>

<sc_bundles>
// kernel: kernel.4.cloned.1.call-start
scs
__scs_entry_jumppad:
0x0: {  	(pc) =	sbr.rel $0x88, $3  }
0x1: {  	(tag) =	ssettag $0x0;
	lr =	simm.s32 $0x1  }
0x2: {  	[smem:$0x3F99] =	sst lr;
	_ =	strace $0xD0000000  }
0x3: {  	_ = 	snop  }
0x4: {  	_ = 	snop  }
0x5: {  	_ = 	snop  }
0x6: {  	_ = 	snop  }
0x7: {  	_ = 	snop  }
__scs_overlays_trampoline_lowered:
0x8: {  	[smem:$0x3FA8] =	sst s0  }
0x9: {  	[smem:$0x3FA9] =	sst s1  }
0xa: {  	[smem:$0x3FAA] =	sst s2  }
0xb: {  	[smem:$0x3FAB] =	sst s3  }
0xc: {  	[smem:$0x3FAC] =	sst s4  }
0xd: {  	[smem:$0x3FAD] =	sst s5  }
0xe: {  	[smem:$0x3FAE] =	sst s6  }
0xf: {  	[smem:$0x3FAF] =	sst s7  }
0x10: {  	[smem:$0x3FB0] =	sst s8  }
0x11: {  	[smem:$0x3FB1] =	sst s9;
	s0 =	simm.s32 @!p0 $0x0  }
0x12: {  	s1 =	sld [smem:$0x3F97];
	s0 =	simm.s32 @p0 $0x1  }
0x13: {  	[smem:$0x3FB2] =	sst s0;
	s0 =	simm.s32 @!p1 $0x0  }
0x14: {  	s2 =	sld [smem:$0x3F96];
	s0 =	simm.s32 @p1 $0x1  }
0x15: {  	[smem:$0x3FB3] =	sst s0;
	s0 =	simm.s32 @!p2 $0x0  }
0x16: {  	s3 =	sld [smem:$0x3FDB];
	s0 =	simm.s32 @p2 $0x1  }
0x17: {  	s4 =	simm.s32 $0x1BF5;
	[smem:$0x3FB5] =	sst s0  }
0x18: {  	s0 =	sld [smem:$0x3F98];
	_ =	swait.ge [sflag:s4], $0x0  }
0x19: {  	s7 =	sld [smem:$0x3F99]  }
0x1a: {  	s8 =	sadd.s32 $0xFFFFE003, lr  }
0x1b: {  	s9 =	sadd.s32 $0xFFFFFEF7, lr;
	s5 =	simm.s32 $0xFFFFFFFF;
	p2 =	slt.u32 s8, $0xFFFFF086  }
0x1c: {  	p1 =	slt.u32 s9, $0xF7A;
	s5 =	simm.s32 @!p2 $0x0  }
0x1d: {  	s5 =	simm.s32 @p1 $0x1;
	p0 =	seq.s32 s7, s2  }
0x1e: {  	s7 =	smul.u32 @!p0 $0xF7A, s2;
	p2 =	seq.s32 @!p0 s5, $0x0  }
0x1f: {  	s9 =	smul.u32 $0xF7A, s1;
	s8 =	simm.s32 @!p0 $0x1BF5;
	p2 =	por !p2, p0  }
0x20: {  	[sflag:s8] =	ssyncset.s32 @!p0 $0xFFFFF086;
	s6 =	sadd.s32 @!p0 s3, s7;
	s7 =	simm.s32 @!p0 $0x108  }
0x21: {  	s3 =	sadd.s32 s3, s9;
	s6 =	sadd.s32 @!p0 $0x88, s6;
	s7 =	simm.s32 @p2 $0x1082  }
0x22: {  	[simem:s7], [sflag:s8] =	dma.local @!p0 [hbm:s6], $0xF7A  }
0x23: {  	s9 =	sor.u32 $0xD0000000, s2;
	s6 =	simm.s32 $0x108;
	_ =	swait.ge @!p0 [sflag:s8], $0x0  }
0x24: {  	s3 =	sadd.s32 $0x88, s3;
	s6 =	simm.s32 @!p1 $0x1082;
	[sflag:s4] =	ssyncset.s32 $0xFFFFF086  }
0x25: {  	[simem:s6], [sflag:s4] =	dma.local [hbm:s3], $0xF7A  }
0x26: {  	[smem:$0x3F99] =	sst s1;
	(tag) =	ssettag s2;
	_ =	strace s9  }
0x27: {  	s1 =	sld [smem:$0x3FA9]  }
0x28: {  	s2 =	sld [smem:$0x3FAA]  }
0x29: {  	s4 =	sld [smem:$0x3FAC]  }
0x2a: {  	p0 =	seq.s32 s5, $0x0;
	s5 =	sld [smem:$0x3FAD]  }
0x2b: {  	s6 =	sld [smem:$0x3FAE]  }
0x2c: {  	s7 =	sld [smem:$0x3FAF]  }
0x2d: {  	s3 =	simm.s32 $0x108;
	s8 =	sld [smem:$0x3FB0]  }
0x2e: {  	s3 =	simm.s32 @!p0 $0x1082;
	s9 =	sld [smem:$0x3FB1]  }
0x2f: {  	lr =	sadd.s32 s0, s3;
	s0 =	sld [smem:$0x3FA8]  }
0x30: {  	s3 =	sld [smem:$0x3FAB]  }
0x31: {  	[smem:$0x3FB4] =	sst s10  }
0x32: {  	s10 =	sld [smem:$0x3FB2];
	_ =	sdelay $0x3  }
0x33: {  	p0 =	seq.s32 s10, $0x1;
	s10 =	sld [smem:$0x3FB4];
	_ =	sdelay $0x3  }
0x34: {  	[smem:$0x3FB4] =	sst s10  }
0x35: {  	s10 =	sld [smem:$0x3FB3];
	_ =	sdelay $0x3  }
0x36: {  	p1 =	seq.s32 s10, $0x1;
	s10 =	sld [smem:$0x3FB4];
	_ =	sdelay $0x3  }
0x37: {  	[smem:$0x3FB4] =	sst s10  }
0x38: {  	s10 =	sld [smem:$0x3FB5]  }
0x39: {  	_ = 	snop;
	(pc) =	sbr.ind lr, $3  }
0x3a: {  	_ = 	snop  }
0x3b: {  	_ = 	snop  }
0x3c: {  	p2 =	seq.s32 s10, $0x1;
	s10 =	sld [smem:$0x3FB4]  }
0x3d: {  	_ =	shalt  }
0x3e: {  	_ =	shalt  }
0x3f: {  	_ =	shalt  }
0x40: {  	_ =	shalt  }
0x41: {  	_ =	shalt  }
0x42: {  	_ =	shalt  }
0x43: {  	_ =	shalt  }
0x44: {  	_ =	shalt  }
0x45: {  	_ =	shalt  }
0x46: {  	_ =	shalt  }
0x47: {  	_ =	shalt  }
0x48: {  	_ =	shalt  }
0x49: {  	_ =	shalt  }
0x4a: {  	_ =	shalt  }
0x4b: {  	_ =	shalt  }
0x4c: {  	_ =	shalt  }
0x4d: {  	_ =	shalt  }
0x4e: {  	_ =	shalt  }
0x4f: {  	_ =	shalt  }
0x50: {  	_ =	shalt  }
0x51: {  	_ =	shalt  }
0x52: {  	_ =	shalt  }
0x53: {  	_ =	shalt  }
0x54: {  	_ =	shalt  }
0x55: {  	_ =	shalt  }
0x56: {  	_ =	shalt  }
0x57: {  	_ =	shalt  }
0x58: {  	_ =	shalt  }
0x59: {  	_ =	shalt  }
0x5a: {  	_ =	shalt  }
0x5b: {  	_ =	shalt  }
0x5c: {  	_ =	shalt  }
0x5d: {  	_ =	shalt  }
0x5e: {  	_ =	shalt  }
0x5f: {  	_ =	shalt  }
0x60: {  	_ =	shalt  }
0x61: {  	_ =	shalt  }
0x62: {  	_ =	shalt  }
0x63: {  	_ =	shalt  }
0x64: {  	_ =	shalt  }
0x65: {  	_ =	shalt  }
0x66: {  	_ =	shalt  }
0x67: {  	_ =	shalt  }
0x68: {  	_ =	shalt  }
0x69: {  	_ =	shalt  }
0x6a: {  	_ =	shalt  }
0x6b: {  	_ =	shalt  }
0x6c: {  	_ =	shalt  }
0x6d: {  	_ =	shalt  }
0x6e: {  	_ =	shalt  }
0x6f: {  	_ =	shalt  }
0x70: {  	_ =	shalt  }
0x71: {  	_ =	shalt  }
0x72: {  	_ =	shalt  }
0x73: {  	_ =	shalt  }
0x74: {  	_ =	shalt  }
0x75: {  	_ =	shalt  }
0x76: {  	_ =	shalt  }
0x77: {  	_ =	shalt  }
0x78: {  	_ =	shalt  }
0x79: {  	_ =	shalt  }
0x7a: {  	_ =	shalt  }
0x7b: {  	_ =	shalt  }
0x7c: {  	_ =	shalt  }
0x7d: {  	_ =	shalt  }
0x7e: {  	_ =	shalt  }
0x7f: {  	_ =	shalt  }
0x80: {  	_ =	shalt  }
0x81: {  	_ =	shalt  }
0x82: {  	_ =	shalt  }
0x83: {  	_ =	shalt  }
0x84: {  	_ =	shalt  }
0x85: {  	_ =	shalt  }
0x86: {  	_ =	shalt  }
0x87: {  	_ =	shalt  }
.Lfunc_end0:
.L_simem_size_0:
called_computation_lowered:
.L_overlay_start_0:
0x88: {  	s2 =	sld [smem:$0x3FD9]  }
0x89: {  	s3 =	sld [smem:$0x3FFE];
	_ =	sdelay $0x1  }
0x8a: {  	s1 =	srdreg.scid  }
0x8b: {  	s0 =	sand.u32 $0x1, s1  }
0x8c: {  	s17 =	sshll.u32 s0, $0xA;
	s2 =	sadd.s32 s3, s2  }
0x8d: {  	s2 =	sadd.s32 s2, s17  }
0x8e: {  	[smem:$0x3FC0] =	sst s2  }
0x8f: {  	_ = 	snop  }
0x90: {  	s2 =	sld [smem:$0x3FC8];
	(tm) =	ssettm $0x1  }
0x91: {  	s18 =	sld [smem:$0x3FFB];
	_ =	sdelay $0x3  }
0x92: {  	_ =	strace s18  }
0x93: {  	s3 =	sld [smem:$0x3FFC];
	_ =	sdelay $0x3  }
0x94: {  	_ =	strace s3  }
0x95: {  	s3 =	sld [smem:$0x3FFD];
	_ =	sdelay $0x3  }
0x96: {  	_ =	strace s3  }
0x97: {  	_ =	strace $0x8FFFFFFF  }
0x98: {  	s19 =	sld [smem:$0x3FDB];
	_ =	sdelay $0x1  }
0x99: {  	s4 =	simm.s32 $_scs_section_size  }
0x9a: {  	s5 =	simm.s32 $_size__tile_overlayer_lowered;
	s6 =	simm.s32 $_tile_overlayer_lowered  }
0x9b: {  	s22 =	simm.s32 $0x1BFF;
	s21 =	sshll.u32 s6, $0x1;
	s3 =	sadd.s32 s4, s19  }
0x9c: {  	s7 =	simm.s32 $0x0;
	s20 =	sshll.u32 s5, $0x1;
	s5 =	sadd.s32 s21, s3  }
0x9d: {  	[timem:s7], [sflag:s22] =	dma.local [hbm:s5], s20  }
0x9e: {  	_ =	swait.ge [sflag:s22], s20  }
0x9f: {  	s4 =	ssub.s32 $0x0, s20;
	[sflag:s22] =	ssyncset.done $0x0  }
0xa0: {  	[sflag:s22] =	ssyncadd.s32 s4;
	_ =	sdelay $0x1  }
0xa1: {  	s23 =	simm.s32 $0x1B8B  }
0xa2: {  	_ =	swait.ge [sflag:s23], $0x1  }
0xa3: {  	[sflag:s23] =	ssyncset.done $0x0  }
0xa4: {  	s25 =	simm.s32 $0x1B8E;
	s24 =	sld [smem:$0x3FFE];
	[sflag:s23] =	ssyncadd.s32 $0xFFFFFFFF  }
0xa5: {  	s26 =	simm.s32 $execute0_lowered;
	[smem:$0x3FD2] =	sst s25  }
0xa6: {  	s5 =	sshll.u32 s26, $0x1;
	_ =	strace $0x80000046;
	[dreg:$0x1] =	wrdreg $0xFFFFFFFF  }
0xa7: {  	s28 =	simm.s32 $_size_execute0_lowered;
	s3 =	sadd.s32 s3, s5;
	[dreg:$0x0] =	wrdreg $0x0  }
0xa8: {  	s5 =	sshll.u32 s28, $0x1;
	[dreg:$0x2] =	wrdreg s3  }
0xa9: {  	[dreg:$0x3] =	wrdreg s5  }
0xaa: {  	[dreg:$0x4] =	wrdreg $0xC0  }
0xab: {  	_ =	task [dreg:s7], $0x5FFFF  }
0xac: {  	[dreg:$0x1] =	wrdreg $0xFFFFFFFF  }
0xad: {  	[dreg:$0x0] =	wrdreg $0x60  }
0xae: {  	[dreg:$0x2] =	wrdreg s24  }
0xaf: {  	[dreg:$0x3] =	wrdreg s2  }
0xb0: {  	[dreg:$0x4] =	wrdreg $0x1F7800  }
0xb1: {  	[dreg:$0x5] =	wrdreg $0x9  }
0xb2: {  	_ =	task.clear_ibuf [dreg:s7], $0x6FFFF;
	_ =	strace $0x90000046  }
0xb3: {  	s29 =	simm.s32 $0x9;
	_ =	strace $0x80000048  }
0xb4: {  	_ =	swait.ge [sflag:s29], $0x1  }
0xb5: {  	[sflag:s29] =	ssyncadd.s32 $0xFFFFFFFF  }
0xb6: {  	_ =	strace $0x90000048  }
0xb7: {  	_ =	sfence  }
0xb8: {  	s30 =	sld [smem:$0x0];
	_ =	sdelay $0x2  }
0xb9: {  	s31 =	sshll.u32 s1, $0xD;
	s1 =	sshrl.u32 s1, $0x2  }
0xba: {  	s3 =	sand.u32 $0x4000, s31;
	s1 =	sadd.s32 s1, s30  }
0xbb: {  	s0 =	sor.u32 s3, s0;
	s1 =	sshll.u32 s1, $0x11  }
0xbc: {  	s0 =	sor.u32 s1, s0  }
0xbd: {  	s0 =	sadd.s32 $0x8F2B, s0  }
0xbe: {  	[sflag:s0] =	ssyncadd.remote.s32 $0x1  }
0xbf: {  	_ =	sfence.sel $0xFFFF  }
0xc0: {  	[dreg:$0x0] =	wrdreg $0xFFFFFFFF;
	(pc) =	sbr.abs _section_cstart, $3  }
0xc1: {  	[dreg:$0x1] =	wrdreg $0xFFFFFFFF  }
0xc2: {  	_ =	task.clear_ibuf [dreg:s7], $0x2FFFF;
	_ =	strace $0x9FFFFFFF  }
0xc3: {  	(tm) =	ssettm $0x7FFFFFFF  }
tec
execute0_lowered:
.L_overlay_start_1:
0x0: {  	(tag) =	ssettag $0x1  }
0x1: {  	s0 =	rddreg [dreg:$0x0]  }
0x2: {  	s2 =	rddreg [dreg:$0x1]  }
0x3: {  	s3 =	rddreg [dreg:$0x2]  }
0x4: {  	s1 =	srdreg.scid;
	s21 =	stileid.u32;
	s4 =	simm.s32 $0x0  }
0x5: {  	s13 =	simm.s32 $0x3;
	s14 =	simm.s32 $0x1EF00;
	s15 =	simm.s32 $0x18700  }
0x6: {  	s16 =	simm.s32 $0x1000;
	s17 =	simm.s32 $0x1A700;
	s18 =	simm.s32 $0x1B700  }
0x7: {  	s19 =	simm.s32 $0x1C700;
	s20 =	simm.s32 $0x1D700;
	s22 =	simm.s32 $0x2  }
0x8: {  	s23 =	simm.s32 $0x3C0;
	s24 =	simm.s32 $0x1E700;
	s25 =	simm.s32 $0x1EB00  }
0x9: {  	s26 =	simm.s32 $0x0;
	s1 =	sand.u32 $0x1, s1;
	s7 =	smul.u32 $0x840, s21  }
0xa: {  	[smem:$0x7FF] =	sst s4;
	s5 =	sadd.s32 $0x200, s0;
	s8 =	sshll.u32 s21, $0x1  }
0xb: {  	s10 =	sadd.s32 $0x186800, s2;
	p0 =	sgt.u32 s21, $0xC;
	s6 =	smul.u32 $0x8400, s1  }
0xc: {  	s21 =	simm.s32 $0x1;
	_ =	strace $0x80000047;
	s9 =	ssub.s32 $0x2, s1  }
.Ltmp0:
0xd: {  	s1 =	sor.u32 s1, s8;
	s6 =	sadd.s32 s7, s6;
	(pc) =	sbr.rel .LBB2_1-.Ltmp0, $4  }
0xe: {  	s8 =	sadd.s32 $0x8000, s2;
	s30 =	sshrl.u32 s9, $0x1;
	s6 =	sshrl.u32 s6, $0x3  }
0xf: {  	p1 =	sne.s32 s1, $0x1F;
	s0 =	sadd.s32 s6, s0;
	s6 =	sshll.u32 s1, $0xA  }
0x10: {  	s12 =	ssub.s32 s9, s30;
	s7 =	sadd.s32 s7, s3;
	s31 =	sadd.s32 s6, s2  }
0x11: {  	v0 =	vimm.f32 $0.0e+00;
	s12 =	smax.u32 s12, $0x1;
	s11 =	sadd.s32 $0x3400, s0;
	s9 =	sadd.s32 $0x180000, s31  }
.LBB2_19:
0x12: {  	[bflag:$0x0] =	sbarrier.arrive $0xFFFF  }
0x13: {  	[tilespmem:s14], [sflag:$0x3] =	stream.linear.gather [spmem:s7], $0x840, $0x38;
	v63 =	vld [tilespmem:$0x0]  }
0x14: {  	s26 =	sadd.s32 $0x1, s26;
	_ =	swait.ge [sflag:s13], $0x840  }
0x15: {  	p2 =	sne.s32 s26, s12;
	[sflag:s13] =	ssyncset.done $0x0  }
.Ltmp1:
0x16: {  	[sflag:s13] =	ssyncadd.s32 $0xFFFFF7C0;
	(pc) =	sbr.rel @!p2 .LBB2_20-.Ltmp1, $4  }
0x17: {  	[hbm4b:s11+s4] =	stream.linear.scatter [tilespmem:s14], [sflag:$0x3], $0x840, $0x38;
	v63 =	vld [tilespmem:$0x0]  }
0x18: {  	_ =	swait.ge [sflag:s13], $0x840  }
0x19: {  	[sflag:s13] =	ssyncset.done $0x0  }
0x1a: {  	[sflag:s13] =	ssyncadd.s32 $0xFFFFF7C0  }
.LBB2_1:
0x1b: {  	[tilespmem:s4], [sflag:$0x3] =	stream.linear.gather [hbm4b:s5+s4], $0x18700, $0x38;
	v63 =	vld [tilespmem:$0x0]  }
0x1c: {  	_ =	swait.ge [sflag:s13], $0x18700  }
0x1d: {  	[sflag:s13] =	ssyncset.done $0x0  }
0x1e: {  	s0 =	simm.s32 $0x40;
	s1 =	simm.s32 $0x0;
	[sflag:s13] =	ssyncadd.s32 $0xFFFE7900  }
.LBB2_2:
0x1f: {  	p2 =	sne.s32 s0, $0x20C0;
	[tilespmem:s1+$0x1EF00] =	vst v0;
	s1 =	smov.u32 s0;
	s0 =	sadd.s32 $0x40, s0  }
.Ltmp2:
0x20: {  	(pc) =	sbr.rel @p2 .LBB2_2-.Ltmp2, $2  }
0x21: {  	_ =	sdelay $0x2  }
0x22: {  	s1 =	sshra.s32 s1, $0x2  }
0x23: {  	[tilespmem:s1+$0x1EF00] =	vst v0  }
0x24: {  	[spmem:s7] =	stream.linear.scatter [tilespmem:s14], [sflag:$0x3], $0x840, $0x38;
	v63 =	vld [tilespmem:$0x0]  }
0x25: {  	_ =	swait.ge [sflag:s13], $0x840  }
0x26: {  	[sflag:s13] =	ssyncset.done $0x0  }
0x27: {  	[sflag:s13] =	ssyncadd.s32 $0xFFFFF7C0  }
0x28: {  	s28 =	simm.s32 $0x0;
	s29 =	simm.s32 $0x0;
	[bflag:$0x0] =	sbarrier.arrive $0xFFFF  }
.LBB2_4:
0x29: {  	p2 =	seq.s32 s29, $0x0  }
0x2a: {  	s0 =	simm.s32 @!p2 $0x1  }
0x2b: {  	s1 =	sshll.u32 s29, $0x10;
	_ =	swait.ge @!p2 [sflag:s0], $0x1000  }
0x2c: {  	s30 =	sor.u32 s6, s1;
	[sflag:s0] =	ssyncset.done @!p2 $0x0  }
0x2d: {  	s1 =	sadd.s32 s2, s30;
	[sflag:s0] =	ssyncadd.s32 @!p2 $0xFFFFF000  }
0x2e: {  	[tilespmem:s15], [sflag:$0x3] =	stream.linear.gather [hbm4b:s1+s28], $0x2000, $0x38;
	v63 =	vld [tilespmem:$0x0]  }
0x2f: {  	_ =	swait.ge [sflag:s13], $0x2000  }
0x30: {  	[sflag:s13] =	ssyncset.done $0x0  }
0x31: {  	s31 =	simm.s32 $0x18780;
	[sflag:s13] =	ssyncadd.s32 $0xFFFFE000  }
0x32: {  	v1 =	vld [tilespmem:s31+$0x0];
	_ =	sdelay $0x1  }
0x33: {  	v2 =	vld [tilespmem:s31+$0xFFFFFF80];
	_ =	sdelay $0x2  }
0x34: {  	v3 =	vcvt.s32.f32 v1;
	_ =	sdelay $0x1  }
0x35: {  	v3 =	vmul.f32 $3.333333430e-01, v3;
	_ =	sdelay $0x1  }
0x36: {  	v3 =	vtrunc.f32 v3  }
0x37: {  	v2 =	vld.idx.msk [tilespmem:v2+s4+$0x0], $0xffff;
	v3 =	vcvt.f32.s32 v3;
	_ =	sdelay $0x1  }
0x38: {  	v4 =	vmul.u32 $0xFFFFFFFD, v3  }
0x39: {  	v1 =	vsub.s32 $0x0, v1  }
0x3a: {  	s0 =	simm.s32 $0x0;
	vm0 =	veq.s32 v4, v1  }
0x3b: {  	[tilespmem:s0+$0x1A700] =	vst v3;
	v1 =	vnsel vm0, $0x0, v2  }
0x3c: {  	[tilespmem:s0+$0x1B700] =	vst v1  }
0x3d: {  	v1 =	vld [tilespmem:s31+$0x10];
	_ =	sdelay $0x1  }
0x3e: {  	v2 =	vld [tilespmem:s31+$0xFFFFFF90];
	_ =	sdelay $0x2  }
0x3f: {  	v3 =	vcvt.s32.f32 v1;
	_ =	sdelay $0x1  }
0x40: {  	v3 =	vmul.f32 $3.333333430e-01, v3;
	_ =	sdelay $0x1  }
0x41: {  	v3 =	vtrunc.f32 v3  }
0x42: {  	v2 =	vld.idx.msk [tilespmem:v2+s4+$0x0], $0xffff;
	v3 =	vcvt.f32.s32 v3;
	_ =	sdelay $0x1  }
0x43: {  	v56 =	vmul.u32 $0xFFFFFFFD, v3  }
0x44: {  	v1 =	vsub.s32 $0x0, v1  }
0x45: {  	vm9 =	veq.s32 v56, v1  }
0x46: {  	[tilespmem:s0+$0x1A710] =	vst v3;
	v1 =	vnsel vm9, $0x0, v2  }
0x47: {  	[tilespmem:s0+$0x1B710] =	vst v1  }
0x48: {  	v1 =	vld [tilespmem:s31+$0x20];
	_ =	sdelay $0x1  }
0x49: {  	v2 =	vld [tilespmem:s31+$0xFFFFFFA0];
	_ =	sdelay $0x2  }
0x4a: {  	v3 =	vcvt.s32.f32 v1;
	_ =	sdelay $0x1  }
0x4b: {  	v3 =	vmul.f32 $3.333333430e-01, v3;
	_ =	sdelay $0x1  }
0x4c: {  	v3 =	vtrunc.f32 v3  }
0x4d: {  	v2 =	vld.idx.msk [tilespmem:v2+s4+$0x0], $0xffff;
	v3 =	vcvt.f32.s32 v3;
	_ =	sdelay $0x1  }
0x4e: {  	v57 =	vmul.u32 $0xFFFFFFFD, v3  }
0x4f: {  	v1 =	vsub.s32 $0x0, v1  }
0x50: {  	vm10 =	veq.s32 v57, v1  }
0x51: {  	[tilespmem:s0+$0x1A720] =	vst v3;
	v1 =	vnsel vm10, $0x0, v2  }
0x52: {  	[tilespmem:s0+$0x1B720] =	vst v1  }
0x53: {  	v1 =	vld [tilespmem:s31+$0x30];
	_ =	sdelay $0x1  }
0x54: {  	v2 =	vld [tilespmem:s31+$0xFFFFFFB0];
	_ =	sdelay $0x2  }
0x55: {  	v3 =	vcvt.s32.f32 v1;
	_ =	sdelay $0x1  }
0x56: {  	v3 =	vmul.f32 $3.333333430e-01, v3;
	_ =	sdelay $0x1  }
0x57: {  	v3 =	vtrunc.f32 v3  }
0x58: {  	v2 =	vld.idx.msk [tilespmem:v2+s4+$0x0], $0xffff;
	v3 =	vcvt.f32.s32 v3;
	_ =	sdelay $0x1  }
0x59: {  	v58 =	vmul.u32 $0xFFFFFFFD, v3  }
0x5a: {  	v1 =	vsub.s32 $0x0, v1  }
0x5b: {  	vm11 =	veq.s32 v58, v1  }
0x5c: {  	[tilespmem:s0+$0x1A730] =	vst v3;
	v1 =	vnsel vm11, $0x0, v2  }
0x5d: {  	[tilespmem:s0+$0x1B730] =	vst v1  }
0x5e: {  	v1 =	vld [tilespmem:s31+$0x40];
	_ =	sdelay $0x1  }
0x5f: {  	v2 =	vld [tilespmem:s31+$0xFFFFFFC0];
	_ =	sdelay $0x2  }
0x60: {  	v3 =	vcvt.s32.f32 v1;
	_ =	sdelay $0x1  }
0x61: {  	v3 =	vmul.f32 $3.333333430e-01, v3;
	_ =	sdelay $0x1  }
0x62: {  	v3 =	vtrunc.f32 v3  }
0x63: {  	v2 =	vld.idx.msk [tilespmem:v2+s4+$0x0], $0xffff;
	v3 =	vcvt.f32.s32 v3;
	_ =	sdelay $0x1  }
0x64: {  	v59 =	vmul.u32 $0xFFFFFFFD, v3  }
0x65: {  	v1 =	vsub.s32 $0x0, v1  }
0x66: {  	vm12 =	veq.s32 v59, v1  }
0x67: {  	[tilespmem:s0+$0x1A740] =	vst v3;
	v1 =	vnsel vm12, $0x0, v2  }
0x68: {  	[tilespmem:s0+$0x1B740] =	vst v1  }
0x69: {  	v1 =	vld [tilespmem:s31+$0x50];
	_ =	sdelay $0x1  }
0x6a: {  	v2 =	vld [tilespmem:s31+$0xFFFFFFD0];
	_ =	sdelay $0x2  }
0x6b: {  	v3 =	vcvt.s32.f32 v1;
	_ =	sdelay $0x1  }
0x6c: {  	v3 =	vmul.f32 $3.333333430e-01, v3;
	_ =	sdelay $0x1  }
0x6d: {  	v3 =	vtrunc.f32 v3  }
0x6e: {  	v2 =	vld.idx.msk [tilespmem:v2+s4+$0x0], $0xffff;
	v3 =	vcvt.f32.s32 v3;
	_ =	sdelay $0x1  }
0x6f: {  	v60 =	vmul.u32 $0xFFFFFFFD, v3  }
0x70: {  	v1 =	vsub.s32 $0x0, v1  }
0x71: {  	vm13 =	veq.s32 v60, v1  }
0x72: {  	[tilespmem:s0+$0x1A750] =	vst v3;
	v1 =	vnsel vm13, $0x0, v2  }
0x73: {  	[tilespmem:s0+$0x1B750] =	vst v1  }
0x74: {  	v1 =	vld [tilespmem:s31+$0x60];
	_ =	sdelay $0x1  }
0x75: {  	v2 =	vld [tilespmem:s31+$0xFFFFFFE0];
	_ =	sdelay $0x2  }
0x76: {  	v3 =	vcvt.s32.f32 v1;
	_ =	sdelay $0x1  }
0x77: {  	v3 =	vmul.f32 $3.333333430e-01, v3;
	_ =	sdelay $0x1  }
0x78: {  	v3 =	vtrunc.f32 v3  }
0x79: {  	v2 =	vld.idx.msk [tilespmem:v2+s4+$0x0], $0xffff;
	v3 =	vcvt.f32.s32 v3;
	_ =	sdelay $0x1  }
0x7a: {  	v61 =	vmul.u32 $0xFFFFFFFD, v3  }
0x7b: {  	v1 =	vsub.s32 $0x0, v1  }
0x7c: {  	vm14 =	veq.s32 v61, v1  }
0x7d: {  	[tilespmem:s0+$0x1A760] =	vst v3;
	v1 =	vnsel vm14, $0x0, v2  }
0x7e: {  	[tilespmem:s0+$0x1B760] =	vst v1  }
0x7f: {  	v1 =	vld [tilespmem:s31+$0x70];
	_ =	sdelay $0x1  }
0x80: {  	v2 =	vld [tilespmem:s31+$0xFFFFFFF0];
	_ =	sdelay $0x2  }
0x81: {  	v3 =	vcvt.s32.f32 v1;
	_ =	sdelay $0x1  }
0x82: {  	v3 =	vmul.f32 $3.333333430e-01, v3;
	_ =	sdelay $0x1  }
0x83: {  	v3 =	vtrunc.f32 v3  }
0x84: {  	v2 =	vld.idx.msk [tilespmem:v2+s4+$0x0], $0xffff;
	v3 =	vcvt.f32.s32 v3;
	_ =	sdelay $0x1  }
0x85: {  	v62 =	vmul.u32 $0xFFFFFFFD, v3  }
0x86: {  	v1 =	vsub.s32 $0x0, v1  }
0x87: {  	vm15 =	veq.s32 v62, v1  }
0x88: {  	s1 =	simm.s32 $0x200;
	[tilespmem:s0+$0x1A770] =	vst v3;
	v1 =	vnsel vm15, $0x0, v2  }
.LBB2_5:
0x89: {  	p3 =	sne.s32 s1, $0x3E00  }
0x8a: {  	[tilespmem:s0+$0x1B770] =	vst v1;
	s31 =	sadd.s32 $0x100, s31;
	s0 =	smov.u32 s1;
	s1 =	sadd.s32 $0x200, s1  }
0x8b: {  	v1 =	vld [tilespmem:s31+$0x0]  }
0x8c: {  	v2 =	vld [tilespmem:s31+$0xFFFFFF80];
	_ =	sdelay $0x3  }
0x8d: {  	v3 =	vcvt.s32.f32 v1;
	_ =	sdelay $0x1  }
0x8e: {  	v3 =	vmul.f32 $3.333333430e-01, v3;
	_ =	sdelay $0x1  }
0x8f: {  	v2 =	vld.idx.msk [tilespmem:v2+s4+$0x0], $0xffff;
	v3 =	vtrunc.f32 v3  }
0x90: {  	v3 =	vcvt.f32.s32 v3;
	_ =	sdelay $0x1  }
0x91: {  	v4 =	vmul.u32 $0xFFFFFFFD, v3  }
0x92: {  	v1 =	vsub.s32 $0x0, v1  }
0x93: {  	s0 =	sshra.s32 s0, $0x2;
	vm0 =	veq.s32 v4, v1  }
0x94: {  	[tilespmem:s0+$0x1A700] =	vst v3;
	v1 =	vnsel vm0, $0x0, v2  }
0x95: {  	[tilespmem:s0+$0x1B700] =	vst v1  }
0x96: {  	v1 =	vld [tilespmem:s31+$0x10]  }
0x97: {  	v2 =	vld [tilespmem:s31+$0xFFFFFF90];
	_ =	sdelay $0x3  }
0x98: {  	v3 =	vcvt.s32.f32 v1;
	_ =	sdelay $0x1  }
0x99: {  	v3 =	vmul.f32 $3.333333430e-01, v3;
	_ =	sdelay $0x1  }
0x9a: {  	v2 =	vld.idx.msk [tilespmem:v2+s4+$0x0], $0xffff;
	v3 =	vtrunc.f32 v3  }
0x9b: {  	v3 =	vcvt.f32.s32 v3;
	_ =	sdelay $0x1  }
0x9c: {  	v4 =	vmul.u32 $0xFFFFFFFD, v3  }
0x9d: {  	v1 =	vsub.s32 $0x0, v1  }
0x9e: {  	vm0 =	veq.s32 v4, v1  }
0x9f: {  	[tilespmem:s0+$0x1A710] =	vst v3;
	v1 =	vnsel vm0, $0x0, v2  }
0xa0: {  	[tilespmem:s0+$0x1B710] =	vst v1  }
0xa1: {  	v1 =	vld [tilespmem:s31+$0x20]  }
0xa2: {  	v2 =	vld [tilespmem:s31+$0xFFFFFFA0];
	_ =	sdelay $0x3  }
0xa3: {  	v3 =	vcvt.s32.f32 v1;
	_ =	sdelay $0x1  }
0xa4: {  	v3 =	vmul.f32 $3.333333430e-01, v3;
	_ =	sdelay $0x1  }
0xa5: {  	v2 =	vld.idx.msk [tilespmem:v2+s4+$0x0], $0xffff;
	v3 =	vtrunc.f32 v3  }
0xa6: {  	v3 =	vcvt.f32.s32 v3;
	_ =	sdelay $0x1  }
0xa7: {  	v4 =	vmul.u32 $0xFFFFFFFD, v3  }
0xa8: {  	v1 =	vsub.s32 $0x0, v1  }
0xa9: {  	vm0 =	veq.s32 v4, v1  }
0xaa: {  	[tilespmem:s0+$0x1A720] =	vst v3;
	v1 =	vnsel vm0, $0x0, v2  }
0xab: {  	[tilespmem:s0+$0x1B720] =	vst v1  }
0xac: {  	v1 =	vld [tilespmem:s31+$0x30]  }
0xad: {  	v2 =	vld [tilespmem:s31+$0xFFFFFFB0];
	_ =	sdelay $0x3  }
0xae: {  	v3 =	vcvt.s32.f32 v1;
	_ =	sdelay $0x1  }
0xaf: {  	v3 =	vmul.f32 $3.333333430e-01, v3;
	_ =	sdelay $0x1  }
0xb0: {  	v2 =	vld.idx.msk [tilespmem:v2+s4+$0x0], $0xffff;
	v3 =	vtrunc.f32 v3  }
0xb1: {  	v3 =	vcvt.f32.s32 v3;
	_ =	sdelay $0x1  }
0xb2: {  	v4 =	vmul.u32 $0xFFFFFFFD, v3;
	[tilespmem:s0+$0x1A730] =	vst v3  }
0xb3: {  	v1 =	vsub.s32 $0x0, v1  }
0xb4: {  	vm0 =	veq.s32 v4, v1  }
0xb5: {  	v1 =	vnsel vm0, $0x0, v2  }
0xb6: {  	[tilespmem:s0+$0x1B730] =	vst v1  }
0xb7: {  	v1 =	vld [tilespmem:s31+$0x40]  }
0xb8: {  	v2 =	vld [tilespmem:s31+$0xFFFFFFC0];
	_ =	sdelay $0x3  }
0xb9: {  	v3 =	vcvt.s32.f32 v1;
	_ =	sdelay $0x1  }
0xba: {  	v3 =	vmul.f32 $3.333333430e-01, v3;
	_ =	sdelay $0x1  }
0xbb: {  	v2 =	vld.idx.msk [tilespmem:v2+s4+$0x0], $0xffff;
	v3 =	vtrunc.f32 v3  }
0xbc: {  	v3 =	vcvt.f32.s32 v3;
	_ =	sdelay $0x1  }
0xbd: {  	v4 =	vmul.u32 $0xFFFFFFFD, v3;
	[tilespmem:s0+$0x1A740] =	vst v3  }
0xbe: {  	v1 =	vsub.s32 $0x0, v1  }
0xbf: {  	vm0 =	veq.s32 v4, v1  }
0xc0: {  	v1 =	vnsel vm0, $0x0, v2  }
0xc1: {  	[tilespmem:s0+$0x1B740] =	vst v1  }
0xc2: {  	v1 =	vld [tilespmem:s31+$0x50]  }
0xc3: {  	v2 =	vld [tilespmem:s31+$0xFFFFFFD0];
	_ =	sdelay $0x3  }
0xc4: {  	v3 =	vcvt.s32.f32 v1;
	_ =	sdelay $0x1  }
0xc5: {  	v3 =	vmul.f32 $3.333333430e-01, v3;
	_ =	sdelay $0x1  }
0xc6: {  	v2 =	vld.idx.msk [tilespmem:v2+s4+$0x0], $0xffff;
	v3 =	vtrunc.f32 v3  }
0xc7: {  	v3 =	vcvt.f32.s32 v3;
	_ =	sdelay $0x1  }
0xc8: {  	v4 =	vmul.u32 $0xFFFFFFFD, v3;
	[tilespmem:s0+$0x1A750] =	vst v3  }
0xc9: {  	v1 =	vsub.s32 $0x0, v1  }
0xca: {  	vm0 =	veq.s32 v4, v1  }
0xcb: {  	v1 =	vnsel vm0, $0x0, v2  }
0xcc: {  	[tilespmem:s0+$0x1B750] =	vst v1  }
0xcd: {  	v1 =	vld [tilespmem:s31+$0x60]  }
0xce: {  	v2 =	vld [tilespmem:s31+$0xFFFFFFE0];
	_ =	sdelay $0x3  }
0xcf: {  	v3 =	vcvt.s32.f32 v1;
	_ =	sdelay $0x1  }
0xd0: {  	v3 =	vmul.f32 $3.333333430e-01, v3;
	_ =	sdelay $0x1  }
0xd1: {  	v2 =	vld.idx.msk [tilespmem:v2+s4+$0x0], $0xffff;
	v3 =	vtrunc.f32 v3  }
0xd2: {  	v3 =	vcvt.f32.s32 v3;
	_ =	sdelay $0x1  }
0xd3: {  	v4 =	vmul.u32 $0xFFFFFFFD, v3;
	[tilespmem:s0+$0x1A760] =	vst v3  }
0xd4: {  	v1 =	vsub.s32 $0x0, v1  }
0xd5: {  	vm0 =	veq.s32 v4, v1  }
0xd6: {  	v1 =	vnsel vm0, $0x0, v2  }
0xd7: {  	[tilespmem:s0+$0x1B760] =	vst v1  }
0xd8: {  	v1 =	vld [tilespmem:s31+$0x70]  }
0xd9: {  	v2 =	vld [tilespmem:s31+$0xFFFFFFF0];
	_ =	sdelay $0x3  }
0xda: {  	v3 =	vcvt.s32.f32 v1;
	_ =	sdelay $0x1  }
0xdb: {  	v3 =	vmul.f32 $3.333333430e-01, v3;
	_ =	sdelay $0x1  }
0xdc: {  	v2 =	vld.idx.msk [tilespmem:v2+s4+$0x0], $0xffff;
	v3 =	vtrunc.f32 v3  }
0xdd: {  	v3 =	vcvt.f32.s32 v3  }
.Ltmp3:
0xde: {  	(pc) =	sbr.rel @p3 .LBB2_5-.Ltmp3, $4  }
0xdf: {  	v4 =	vmul.u32 $0xFFFFFFFD, v3;
	[tilespmem:s0+$0x1A770] =	vst v3  }
0xe0: {  	v1 =	vsub.s32 $0x0, v1  }
0xe1: {  	vm0 =	veq.s32 v4, v1  }
0xe2: {  	v1 =	vnsel vm0, $0x0, v2  }
0xe3: {  	[tilespmem:s0+$0x1B770] =	vst v1;
	s0 =	simm.s32 @!p2 $0x2  }
0xe4: {  	[spmem:s3] =	stream.indirect.scatter.add.f32 [tilespmem:s18], [sflag:$0x1], $0x1, s17, s16, $0xb8;
	v63 =	vld [tilespmem:$0x0]  }
0xe5: {  	_ =	swait.ge @!p2 [sflag:s0], $0x1000  }
0xe6: {  	[sflag:s0] =	ssyncset.done @!p2 $0x0  }
0xe7: {  	s31 =	sadd.s32 s30, s8;
	s1 =	simm.s32 $0x0;
	[sflag:s0] =	ssyncadd.s32 @!p2 $0xFFFFF000  }
0xe8: {  	[tilespmem:s15], [sflag:$0x3] =	stream.linear.gather [hbm4b:s31+s1], $0x2000, $0x38;
	v63 =	vld [tilespmem:$0x0]  }
0xe9: {  	_ =	swait.ge [sflag:s13], $0x2000  }
0xea: {  	[sflag:s13] =	ssyncset.done $0x0  }
0xeb: {  	s30 =	simm.s32 $0x18780;
	[sflag:s13] =	ssyncadd.s32 $0xFFFFE000  }
0xec: {  	v1 =	vld [tilespmem:s30+$0x0];
	_ =	sdelay $0x1  }
0xed: {  	v2 =	vld [tilespmem:s30+$0xFFFFFF80];
	_ =	sdelay $0x2  }
0xee: {  	v3 =	vcvt.s32.f32 v1;
	_ =	sdelay $0x1  }
0xef: {  	v3 =	vmul.f32 $3.333333430e-01, v3;
	_ =	sdelay $0x1  }
0xf0: {  	v3 =	vtrunc.f32 v3  }
0xf1: {  	v2 =	vld.idx.msk [tilespmem:v2+s4+$0x0], $0xffff;
	v3 =	vcvt.f32.s32 v3;
	_ =	sdelay $0x1  }
0xf2: {  	v4 =	vmul.u32 $0xFFFFFFFD, v3  }
0xf3: {  	v1 =	vsub.s32 $0x0, v1  }
0xf4: {  	s0 =	simm.s32 $0x0;
	vm0 =	veq.s32 v4, v1  }
0xf5: {  	[tilespmem:s0+$0x1C700] =	vst v3;
	v1 =	vnsel vm0, $0x0, v2  }
0xf6: {  	[tilespmem:s0+$0x1D700] =	vst v1  }
0xf7: {  	v1 =	vld [tilespmem:s30+$0x10];
	_ =	sdelay $0x1  }
0xf8: {  	v2 =	vld [tilespmem:s30+$0xFFFFFF90];
	_ =	sdelay $0x2  }
0xf9: {  	v3 =	vcvt.s32.f32 v1;
	_ =	sdelay $0x1  }
0xfa: {  	v3 =	vmul.f32 $3.333333430e-01, v3;
	_ =	sdelay $0x1  }
0xfb: {  	v3 =	vtrunc.f32 v3  }
0xfc: {  	v2 =	vld.idx.msk [tilespmem:v2+s4+$0x0], $0xffff;
	v3 =	vcvt.f32.s32 v3;
	_ =	sdelay $0x1  }
0xfd: {  	v56 =	vmul.u32 $0xFFFFFFFD, v3  }
0xfe: {  	v1 =	vsub.s32 $0x0, v1  }
0xff: {  	vm9 =	veq.s32 v56, v1  }
0x100: {  	[tilespmem:s0+$0x1C710] =	vst v3;
	v1 =	vnsel vm9, $0x0, v2  }
0x101: {  	[tilespmem:s0+$0x1D710] =	vst v1  }
0x102: {  	v1 =	vld [tilespmem:s30+$0x20];
	_ =	sdelay $0x1  }
0x103: {  	v2 =	vld [tilespmem:s30+$0xFFFFFFA0];
	_ =	sdelay $0x2  }
0x104: {  	v3 =	vcvt.s32.f32 v1;
	_ =	sdelay $0x1  }
0x105: {  	v3 =	vmul.f32 $3.333333430e-01, v3;
	_ =	sdelay $0x1  }
0x106: {  	v3 =	vtrunc.f32 v3  }
0x107: {  	v2 =	vld.idx.msk [tilespmem:v2+s4+$0x0], $0xffff;
	v3 =	vcvt.f32.s32 v3;
	_ =	sdelay $0x1  }
0x108: {  	v57 =	vmul.u32 $0xFFFFFFFD, v3  }
0x109: {  	v1 =	vsub.s32 $0x0, v1  }
0x10a: {  	vm10 =	veq.s32 v57, v1  }
0x10b: {  	[tilespmem:s0+$0x1C720] =	vst v3;
	v1 =	vnsel vm10, $0x0, v2  }
0x10c: {  	[tilespmem:s0+$0x1D720] =	vst v1  }
0x10d: {  	v1 =	vld [tilespmem:s30+$0x30];
	_ =	sdelay $0x1  }
0x10e: {  	v2 =	vld [tilespmem:s30+$0xFFFFFFB0];
	_ =	sdelay $0x2  }
0x10f: {  	v3 =	vcvt.s32.f32 v1;
	_ =	sdelay $0x1  }
0x110: {  	v3 =	vmul.f32 $3.333333430e-01, v3;
	_ =	sdelay $0x1  }
0x111: {  	v3 =	vtrunc.f32 v3  }
0x112: {  	v2 =	vld.idx.msk [tilespmem:v2+s4+$0x0], $0xffff;
	v3 =	vcvt.f32.s32 v3;
	_ =	sdelay $0x1  }
0x113: {  	v58 =	vmul.u32 $0xFFFFFFFD, v3  }
0x114: {  	v1 =	vsub.s32 $0x0, v1  }
0x115: {  	vm11 =	veq.s32 v58, v1  }
0x116: {  	[tilespmem:s0+$0x1C730] =	vst v3;
	v1 =	vnsel vm11, $0x0, v2  }
0x117: {  	[tilespmem:s0+$0x1D730] =	vst v1  }
0x118: {  	v1 =	vld [tilespmem:s30+$0x40];
	_ =	sdelay $0x1  }
0x119: {  	v2 =	vld [tilespmem:s30+$0xFFFFFFC0];
	_ =	sdelay $0x2  }
0x11a: {  	v3 =	vcvt.s32.f32 v1;
	_ =	sdelay $0x1  }
0x11b: {  	v3 =	vmul.f32 $3.333333430e-01, v3;
	_ =	sdelay $0x1  }
0x11c: {  	v3 =	vtrunc.f32 v3  }
0x11d: {  	v2 =	vld.idx.msk [tilespmem:v2+s4+$0x0], $0xffff;
	v3 =	vcvt.f32.s32 v3;
	_ =	sdelay $0x1  }
0x11e: {  	v59 =	vmul.u32 $0xFFFFFFFD, v3  }
0x11f: {  	v1 =	vsub.s32 $0x0, v1  }
0x120: {  	vm12 =	veq.s32 v59, v1  }
0x121: {  	[tilespmem:s0+$0x1C740] =	vst v3;
	v1 =	vnsel vm12, $0x0, v2  }
0x122: {  	[tilespmem:s0+$0x1D740] =	vst v1  }
0x123: {  	v1 =	vld [tilespmem:s30+$0x50];
	_ =	sdelay $0x1  }
0x124: {  	v2 =	vld [tilespmem:s30+$0xFFFFFFD0];
	_ =	sdelay $0x2  }
0x125: {  	v3 =	vcvt.s32.f32 v1;
	_ =	sdelay $0x1  }
0x126: {  	v3 =	vmul.f32 $3.333333430e-01, v3;
	_ =	sdelay $0x1  }
0x127: {  	v3 =	vtrunc.f32 v3  }
0x128: {  	v2 =	vld.idx.msk [tilespmem:v2+s4+$0x0], $0xffff;
	v3 =	vcvt.f32.s32 v3;
	_ =	sdelay $0x1  }
0x129: {  	v60 =	vmul.u32 $0xFFFFFFFD, v3  }
0x12a: {  	v1 =	vsub.s32 $0x0, v1  }
0x12b: {  	vm13 =	veq.s32 v60, v1  }
0x12c: {  	[tilespmem:s0+$0x1C750] =	vst v3;
	v1 =	vnsel vm13, $0x0, v2  }
0x12d: {  	[tilespmem:s0+$0x1D750] =	vst v1  }
0x12e: {  	v1 =	vld [tilespmem:s30+$0x60];
	_ =	sdelay $0x1  }
0x12f: {  	v2 =	vld [tilespmem:s30+$0xFFFFFFE0];
	_ =	sdelay $0x2  }
0x130: {  	v3 =	vcvt.s32.f32 v1;
	_ =	sdelay $0x1  }
0x131: {  	v3 =	vmul.f32 $3.333333430e-01, v3;
	_ =	sdelay $0x1  }
0x132: {  	v3 =	vtrunc.f32 v3  }
0x133: {  	v2 =	vld.idx.msk [tilespmem:v2+s4+$0x0], $0xffff;
	v3 =	vcvt.f32.s32 v3;
	_ =	sdelay $0x1  }
0x134: {  	v61 =	vmul.u32 $0xFFFFFFFD, v3  }
0x135: {  	v1 =	vsub.s32 $0x0, v1  }
0x136: {  	vm14 =	veq.s32 v61, v1  }
0x137: {  	[tilespmem:s0+$0x1C760] =	vst v3;
	v1 =	vnsel vm14, $0x0, v2  }
0x138: {  	[tilespmem:s0+$0x1D760] =	vst v1  }
0x139: {  	v1 =	vld [tilespmem:s30+$0x70];
	_ =	sdelay $0x1  }
0x13a: {  	v2 =	vld [tilespmem:s30+$0xFFFFFFF0];
	_ =	sdelay $0x2  }
0x13b: {  	v3 =	vcvt.s32.f32 v1;
	_ =	sdelay $0x1  }
0x13c: {  	v3 =	vmul.f32 $3.333333430e-01, v3;
	_ =	sdelay $0x1  }
0x13d: {  	v3 =	vtrunc.f32 v3  }
0x13e: {  	v2 =	vld.idx.msk [tilespmem:v2+s4+$0x0], $0xffff;
	v3 =	vcvt.f32.s32 v3;
	_ =	sdelay $0x1  }
0x13f: {  	v62 =	vmul.u32 $0xFFFFFFFD, v3  }
0x140: {  	v1 =	vsub.s32 $0x0, v1  }
0x141: {  	vm15 =	veq.s32 v62, v1  }
0x142: {  	s1 =	simm.s32 $0x200;
	[tilespmem:s0+$0x1C770] =	vst v3;
	v1 =	vnsel vm15, $0x0, v2  }
.LBB2_7:
0x143: {  	p2 =	sne.s32 s1, $0x3E00  }
0x144: {  	[tilespmem:s0+$0x1D770] =	vst v1;
	s30 =	sadd.s32 $0x100, s30;
	s0 =	smov.u32 s1;
	s1 =	sadd.s32 $0x200, s1  }
0x145: {  	v1 =	vld [tilespmem:s30+$0x0]  }
0x146: {  	v2 =	vld [tilespmem:s30+$0xFFFFFF80];
	_ =	sdelay $0x3  }
0x147: {  	v3 =	vcvt.s32.f32 v1;
	_ =	sdelay $0x1  }
0x148: {  	v3 =	vmul.f32 $3.333333430e-01, v3;
	_ =	sdelay $0x1  }
0x149: {  	v2 =	vld.idx.msk [tilespmem:v2+s4+$0x0], $0xffff;
	v3 =	vtrunc.f32 v3  }
0x14a: {  	v3 =	vcvt.f32.s32 v3;
	_ =	sdelay $0x1  }
0x14b: {  	v4 =	vmul.u32 $0xFFFFFFFD, v3  }
0x14c: {  	v1 =	vsub.s32 $0x0, v1  }
0x14d: {  	s0 =	sshra.s32 s0, $0x2;
	vm0 =	veq.s32 v4, v1  }
0x14e: {  	[tilespmem:s0+$0x1C700] =	vst v3;
	v1 =	vnsel vm0, $0x0, v2  }
0x14f: {  	[tilespmem:s0+$0x1D700] =	vst v1  }
0x150: {  	v1 =	vld [tilespmem:s30+$0x10]  }
0x151: {  	v2 =	vld [tilespmem:s30+$0xFFFFFF90];
	_ =	sdelay $0x3  }
0x152: {  	v3 =	vcvt.s32.f32 v1;
	_ =	sdelay $0x1  }
0x153: {  	v3 =	vmul.f32 $3.333333430e-01, v3;
	_ =	sdelay $0x1  }
0x154: {  	v2 =	vld.idx.msk [tilespmem:v2+s4+$0x0], $0xffff;
	v3 =	vtrunc.f32 v3  }
0x155: {  	v3 =	vcvt.f32.s32 v3;
	_ =	sdelay $0x1  }
0x156: {  	v4 =	vmul.u32 $0xFFFFFFFD, v3  }
0x157: {  	v1 =	vsub.s32 $0x0, v1  }
0x158: {  	vm0 =	veq.s32 v4, v1  }
0x159: {  	[tilespmem:s0+$0x1C710] =	vst v3;
	v1 =	vnsel vm0, $0x0, v2  }
0x15a: {  	[tilespmem:s0+$0x1D710] =	vst v1  }
0x15b: {  	v1 =	vld [tilespmem:s30+$0x20]  }
0x15c: {  	v2 =	vld [tilespmem:s30+$0xFFFFFFA0];
	_ =	sdelay $0x3  }
0x15d: {  	v3 =	vcvt.s32.f32 v1;
	_ =	sdelay $0x1  }
0x15e: {  	v3 =	vmul.f32 $3.333333430e-01, v3;
	_ =	sdelay $0x1  }
0x15f: {  	v2 =	vld.idx.msk [tilespmem:v2+s4+$0x0], $0xffff;
	v3 =	vtrunc.f32 v3  }
0x160: {  	v3 =	vcvt.f32.s32 v3;
	_ =	sdelay $0x1  }
0x161: {  	v4 =	vmul.u32 $0xFFFFFFFD, v3  }
0x162: {  	v1 =	vsub.s32 $0x0, v1  }
0x163: {  	vm0 =	veq.s32 v4, v1  }
0x164: {  	[tilespmem:s0+$0x1C720] =	vst v3;
	v1 =	vnsel vm0, $0x0, v2  }
0x165: {  	[tilespmem:s0+$0x1D720] =	vst v1  }
0x166: {  	v1 =	vld [tilespmem:s30+$0x30]  }
0x167: {  	v2 =	vld [tilespmem:s30+$0xFFFFFFB0];
	_ =	sdelay $0x3  }
0x168: {  	v3 =	vcvt.s32.f32 v1;
	_ =	sdelay $0x1  }
0x169: {  	v3 =	vmul.f32 $3.333333430e-01, v3;
	_ =	sdelay $0x1  }
0x16a: {  	v2 =	vld.idx.msk [tilespmem:v2+s4+$0x0], $0xffff;
	v3 =	vtrunc.f32 v3  }
0x16b: {  	v3 =	vcvt.f32.s32 v3;
	_ =	sdelay $0x1  }
0x16c: {  	v4 =	vmul.u32 $0xFFFFFFFD, v3;
	[tilespmem:s0+$0x1C730] =	vst v3  }
0x16d: {  	v1 =	vsub.s32 $0x0, v1  }
0x16e: {  	vm0 =	veq.s32 v4, v1  }
0x16f: {  	v1 =	vnsel vm0, $0x0, v2  }
0x170: {  	[tilespmem:s0+$0x1D730] =	vst v1  }
0x171: {  	v1 =	vld [tilespmem:s30+$0x40]  }
0x172: {  	v2 =	vld [tilespmem:s30+$0xFFFFFFC0];
	_ =	sdelay $0x3  }
0x173: {  	v3 =	vcvt.s32.f32 v1;
	_ =	sdelay $0x1  }
0x174: {  	v3 =	vmul.f32 $3.333333430e-01, v3;
	_ =	sdelay $0x1  }
0x175: {  	v2 =	vld.idx.msk [tilespmem:v2+s4+$0x0], $0xffff;
	v3 =	vtrunc.f32 v3  }
0x176: {  	v3 =	vcvt.f32.s32 v3;
	_ =	sdelay $0x1  }
0x177: {  	v4 =	vmul.u32 $0xFFFFFFFD, v3;
	[tilespmem:s0+$0x1C740] =	vst v3  }
0x178: {  	v1 =	vsub.s32 $0x0, v1  }
0x179: {  	vm0 =	veq.s32 v4, v1  }
0x17a: {  	v1 =	vnsel vm0, $0x0, v2  }
0x17b: {  	[tilespmem:s0+$0x1D740] =	vst v1  }
0x17c: {  	v1 =	vld [tilespmem:s30+$0x50]  }
0x17d: {  	v2 =	vld [tilespmem:s30+$0xFFFFFFD0];
	_ =	sdelay $0x3  }
0x17e: {  	v3 =	vcvt.s32.f32 v1;
	_ =	sdelay $0x1  }
0x17f: {  	v3 =	vmul.f32 $3.333333430e-01, v3;
	_ =	sdelay $0x1  }
0x180: {  	v2 =	vld.idx.msk [tilespmem:v2+s4+$0x0], $0xffff;
	v3 =	vtrunc.f32 v3  }
0x181: {  	v3 =	vcvt.f32.s32 v3;
	_ =	sdelay $0x1  }
0x182: {  	v4 =	vmul.u32 $0xFFFFFFFD, v3;
	[tilespmem:s0+$0x1C750] =	vst v3  }
0x183: {  	v1 =	vsub.s32 $0x0, v1  }
0x184: {  	vm0 =	veq.s32 v4, v1  }
0x185: {  	v1 =	vnsel vm0, $0x0, v2  }
0x186: {  	[tilespmem:s0+$0x1D750] =	vst v1  }
0x187: {  	v1 =	vld [tilespmem:s30+$0x60]  }
0x188: {  	v2 =	vld [tilespmem:s30+$0xFFFFFFE0];
	_ =	sdelay $0x3  }
0x189: {  	v3 =	vcvt.s32.f32 v1;
	_ =	sdelay $0x1  }
0x18a: {  	v3 =	vmul.f32 $3.333333430e-01, v3;
	_ =	sdelay $0x1  }
0x18b: {  	v2 =	vld.idx.msk [tilespmem:v2+s4+$0x0], $0xffff;
	v3 =	vtrunc.f32 v3  }
0x18c: {  	v3 =	vcvt.f32.s32 v3;
	_ =	sdelay $0x1  }
0x18d: {  	v4 =	vmul.u32 $0xFFFFFFFD, v3;
	[tilespmem:s0+$0x1C760] =	vst v3  }
0x18e: {  	v1 =	vsub.s32 $0x0, v1  }
0x18f: {  	vm0 =	veq.s32 v4, v1  }
0x190: {  	v1 =	vnsel vm0, $0x0, v2  }
0x191: {  	[tilespmem:s0+$0x1D760] =	vst v1  }
0x192: {  	v1 =	vld [tilespmem:s30+$0x70]  }
0x193: {  	v2 =	vld [tilespmem:s30+$0xFFFFFFF0];
	_ =	sdelay $0x3  }
0x194: {  	v3 =	vcvt.s32.f32 v1;
	_ =	sdelay $0x1  }
0x195: {  	v3 =	vmul.f32 $3.333333430e-01, v3;
	_ =	sdelay $0x1  }
0x196: {  	v2 =	vld.idx.msk [tilespmem:v2+s4+$0x0], $0xffff;
	v3 =	vtrunc.f32 v3  }
0x197: {  	v3 =	vcvt.f32.s32 v3  }
.Ltmp4:
0x198: {  	(pc) =	sbr.rel @p2 .LBB2_7-.Ltmp4, $4  }
0x199: {  	v4 =	vmul.u32 $0xFFFFFFFD, v3;
	[tilespmem:s0+$0x1C770] =	vst v3  }
0x19a: {  	v1 =	vsub.s32 $0x0, v1  }
0x19b: {  	vm0 =	veq.s32 v4, v1  }
0x19c: {  	v1 =	vnsel vm0, $0x0, v2  }
0x19d: {  	s29 =	sadd.s32 $0x1, s29  }
0x19e: {  	p2 =	sne.s32 s29, $0x18  }
.Ltmp5:
0x19f: {  	_ = 	snop;
	(pc) =	sbr.rel @p2 .LBB2_4-.Ltmp5, $3  }
0x1a0: {  	_ =	sdelay $0x1  }
0x1a1: {  	[tilespmem:s0+$0x1D770] =	vst v1  }
0x1a2: {  	[spmem:s3] =	stream.indirect.scatter.add.f32 [tilespmem:s20], [sflag:$0x2], $0x1, s19, s16, $0xb8;
	v63 =	vld [tilespmem:$0x0]  }
0x1a3: {  	_ =	swait.ge [sflag:s21], $0x1000  }
.Ltmp6:
0x1a4: {  	[sflag:s21] =	ssyncset.done $0x0;
	(pc) =	sbr.rel @p0 .LBB2_13-.Ltmp6, $4  }
0x1a5: {  	[sflag:s21] =	ssyncadd.s32 $0xFFFFF000  }
0x1a6: {  	_ =	swait.ge [sflag:s22], $0x1000  }
0x1a7: {  	[sflag:s22] =	ssyncset.done $0x0  }
0x1a8: {  	[sflag:s22] =	ssyncadd.s32 $0xFFFFF000  }
0x1a9: {  	s0 =	simm.s32 $0x0  }
0x1aa: {  	[tilespmem:s15], [sflag:$0x3] =	stream.linear.gather [hbm4b:s9+s0], $0x2000, $0x38;
	v63 =	vld [tilespmem:$0x0]  }
0x1ab: {  	_ =	swait.ge [sflag:s13], $0x2000  }
0x1ac: {  	[sflag:s13] =	ssyncset.done $0x0  }
0x1ad: {  	s28 =	simm.s32 $0x18780;
	[sflag:s13] =	ssyncadd.s32 $0xFFFFE000  }
0x1ae: {  	v1 =	vld [tilespmem:s28+$0x0];
	_ =	sdelay $0x1  }
0x1af: {  	v2 =	vld [tilespmem:s28+$0xFFFFFF80];
	_ =	sdelay $0x2  }
0x1b0: {  	v3 =	vcvt.s32.f32 v1;
	_ =	sdelay $0x1  }
0x1b1: {  	v3 =	vmul.f32 $3.333333430e-01, v3;
	_ =	sdelay $0x1  }
0x1b2: {  	v3 =	vtrunc.f32 v3  }
0x1b3: {  	v2 =	vld.idx.msk [tilespmem:v2+s4+$0x0], $0xffff;
	v3 =	vcvt.f32.s32 v3;
	_ =	sdelay $0x1  }
0x1b4: {  	v4 =	vmul.u32 $0xFFFFFFFD, v3  }
0x1b5: {  	v1 =	vsub.s32 $0x0, v1  }
0x1b6: {  	s0 =	simm.s32 $0x0;
	vm0 =	veq.s32 v4, v1  }
0x1b7: {  	[tilespmem:s0+$0x1A700] =	vst v3;
	v1 =	vnsel vm0, $0x0, v2  }
0x1b8: {  	[tilespmem:s0+$0x1B700] =	vst v1  }
0x1b9: {  	v1 =	vld [tilespmem:s28+$0x10];
	_ =	sdelay $0x1  }
0x1ba: {  	v2 =	vld [tilespmem:s28+$0xFFFFFF90];
	_ =	sdelay $0x2  }
0x1bb: {  	v3 =	vcvt.s32.f32 v1;
	_ =	sdelay $0x1  }
0x1bc: {  	v3 =	vmul.f32 $3.333333430e-01, v3;
	_ =	sdelay $0x1  }
0x1bd: {  	v3 =	vtrunc.f32 v3  }
0x1be: {  	v2 =	vld.idx.msk [tilespmem:v2+s4+$0x0], $0xffff;
	v3 =	vcvt.f32.s32 v3;
	_ =	sdelay $0x1  }
0x1bf: {  	v56 =	vmul.u32 $0xFFFFFFFD, v3  }
0x1c0: {  	v1 =	vsub.s32 $0x0, v1  }
0x1c1: {  	vm9 =	veq.s32 v56, v1  }
0x1c2: {  	[tilespmem:s0+$0x1A710] =	vst v3;
	v1 =	vnsel vm9, $0x0, v2  }
0x1c3: {  	[tilespmem:s0+$0x1B710] =	vst v1  }
0x1c4: {  	v1 =	vld [tilespmem:s28+$0x20];
	_ =	sdelay $0x1  }
0x1c5: {  	v2 =	vld [tilespmem:s28+$0xFFFFFFA0];
	_ =	sdelay $0x2  }
0x1c6: {  	v3 =	vcvt.s32.f32 v1;
	_ =	sdelay $0x1  }
0x1c7: {  	v3 =	vmul.f32 $3.333333430e-01, v3;
	_ =	sdelay $0x1  }
0x1c8: {  	v3 =	vtrunc.f32 v3  }
0x1c9: {  	v2 =	vld.idx.msk [tilespmem:v2+s4+$0x0], $0xffff;
	v3 =	vcvt.f32.s32 v3;
	_ =	sdelay $0x1  }
0x1ca: {  	v57 =	vmul.u32 $0xFFFFFFFD, v3  }
0x1cb: {  	v1 =	vsub.s32 $0x0, v1  }
0x1cc: {  	vm10 =	veq.s32 v57, v1  }
0x1cd: {  	[tilespmem:s0+$0x1A720] =	vst v3;
	v1 =	vnsel vm10, $0x0, v2  }
0x1ce: {  	[tilespmem:s0+$0x1B720] =	vst v1  }
0x1cf: {  	v1 =	vld [tilespmem:s28+$0x30];
	_ =	sdelay $0x1  }
0x1d0: {  	v2 =	vld [tilespmem:s28+$0xFFFFFFB0];
	_ =	sdelay $0x2  }
0x1d1: {  	v3 =	vcvt.s32.f32 v1;
	_ =	sdelay $0x1  }
0x1d2: {  	v3 =	vmul.f32 $3.333333430e-01, v3;
	_ =	sdelay $0x1  }
0x1d3: {  	v3 =	vtrunc.f32 v3  }
0x1d4: {  	v2 =	vld.idx.msk [tilespmem:v2+s4+$0x0], $0xffff;
	v3 =	vcvt.f32.s32 v3;
	_ =	sdelay $0x1  }
0x1d5: {  	v58 =	vmul.u32 $0xFFFFFFFD, v3  }
0x1d6: {  	v1 =	vsub.s32 $0x0, v1  }
0x1d7: {  	vm11 =	veq.s32 v58, v1  }
0x1d8: {  	[tilespmem:s0+$0x1A730] =	vst v3;
	v1 =	vnsel vm11, $0x0, v2  }
0x1d9: {  	[tilespmem:s0+$0x1B730] =	vst v1  }
0x1da: {  	v1 =	vld [tilespmem:s28+$0x40];
	_ =	sdelay $0x1  }
0x1db: {  	v2 =	vld [tilespmem:s28+$0xFFFFFFC0];
	_ =	sdelay $0x2  }
0x1dc: {  	v3 =	vcvt.s32.f32 v1;
	_ =	sdelay $0x1  }
0x1dd: {  	v3 =	vmul.f32 $3.333333430e-01, v3;
	_ =	sdelay $0x1  }
0x1de: {  	v3 =	vtrunc.f32 v3  }
0x1df: {  	v2 =	vld.idx.msk [tilespmem:v2+s4+$0x0], $0xffff;
	v3 =	vcvt.f32.s32 v3;
	_ =	sdelay $0x1  }
0x1e0: {  	v59 =	vmul.u32 $0xFFFFFFFD, v3  }
0x1e1: {  	v1 =	vsub.s32 $0x0, v1  }
0x1e2: {  	vm12 =	veq.s32 v59, v1  }
0x1e3: {  	[tilespmem:s0+$0x1A740] =	vst v3;
	v1 =	vnsel vm12, $0x0, v2  }
0x1e4: {  	[tilespmem:s0+$0x1B740] =	vst v1  }
0x1e5: {  	v1 =	vld [tilespmem:s28+$0x50];
	_ =	sdelay $0x1  }
0x1e6: {  	v2 =	vld [tilespmem:s28+$0xFFFFFFD0];
	_ =	sdelay $0x2  }
0x1e7: {  	v3 =	vcvt.s32.f32 v1;
	_ =	sdelay $0x1  }
0x1e8: {  	v3 =	vmul.f32 $3.333333430e-01, v3;
	_ =	sdelay $0x1  }
0x1e9: {  	v3 =	vtrunc.f32 v3  }
0x1ea: {  	v2 =	vld.idx.msk [tilespmem:v2+s4+$0x0], $0xffff;
	v3 =	vcvt.f32.s32 v3;
	_ =	sdelay $0x1  }
0x1eb: {  	v60 =	vmul.u32 $0xFFFFFFFD, v3  }
0x1ec: {  	v1 =	vsub.s32 $0x0, v1  }
0x1ed: {  	vm13 =	veq.s32 v60, v1  }
0x1ee: {  	[tilespmem:s0+$0x1A750] =	vst v3;
	v1 =	vnsel vm13, $0x0, v2  }
0x1ef: {  	[tilespmem:s0+$0x1B750] =	vst v1  }
0x1f0: {  	v1 =	vld [tilespmem:s28+$0x60];
	_ =	sdelay $0x1  }
0x1f1: {  	v2 =	vld [tilespmem:s28+$0xFFFFFFE0];
	_ =	sdelay $0x2  }
0x1f2: {  	v3 =	vcvt.s32.f32 v1;
	_ =	sdelay $0x1  }
0x1f3: {  	v3 =	vmul.f32 $3.333333430e-01, v3;
	_ =	sdelay $0x1  }
0x1f4: {  	v3 =	vtrunc.f32 v3  }
0x1f5: {  	v2 =	vld.idx.msk [tilespmem:v2+s4+$0x0], $0xffff;
	v3 =	vcvt.f32.s32 v3;
	_ =	sdelay $0x1  }
0x1f6: {  	v61 =	vmul.u32 $0xFFFFFFFD, v3  }
0x1f7: {  	v1 =	vsub.s32 $0x0, v1  }
0x1f8: {  	vm14 =	veq.s32 v61, v1  }
0x1f9: {  	[tilespmem:s0+$0x1A760] =	vst v3;
	v1 =	vnsel vm14, $0x0, v2  }
0x1fa: {  	[tilespmem:s0+$0x1B760] =	vst v1  }
0x1fb: {  	v1 =	vld [tilespmem:s28+$0x70];
	_ =	sdelay $0x1  }
0x1fc: {  	v2 =	vld [tilespmem:s28+$0xFFFFFFF0];
	_ =	sdelay $0x2  }
0x1fd: {  	v3 =	vcvt.s32.f32 v1;
	_ =	sdelay $0x1  }
0x1fe: {  	v3 =	vmul.f32 $3.333333430e-01, v3;
	_ =	sdelay $0x1  }
0x1ff: {  	v3 =	vtrunc.f32 v3  }
0x200: {  	v2 =	vld.idx.msk [tilespmem:v2+s4+$0x0], $0xffff;
	v3 =	vcvt.f32.s32 v3;
	_ =	sdelay $0x1  }
0x201: {  	v62 =	vmul.u32 $0xFFFFFFFD, v3  }
0x202: {  	v1 =	vsub.s32 $0x0, v1  }
0x203: {  	vm15 =	veq.s32 v62, v1  }
0x204: {  	s1 =	simm.s32 $0x200;
	[tilespmem:s0+$0x1A770] =	vst v3;
	v1 =	vnsel vm15, $0x0, v2  }
.LBB2_11:
0x205: {  	p2 =	sne.s32 s1, $0x3E00  }
0x206: {  	[tilespmem:s0+$0x1B770] =	vst v1;
	s28 =	sadd.s32 $0x100, s28;
	s0 =	smov.u32 s1;
	s1 =	sadd.s32 $0x200, s1  }
0x207: {  	v1 =	vld [tilespmem:s28+$0x0]  }
0x208: {  	v2 =	vld [tilespmem:s28+$0xFFFFFF80];
	_ =	sdelay $0x3  }
0x209: {  	v3 =	vcvt.s32.f32 v1;
	_ =	sdelay $0x1  }
0x20a: {  	v3 =	vmul.f32 $3.333333430e-01, v3;
	_ =	sdelay $0x1  }
0x20b: {  	v2 =	vld.idx.msk [tilespmem:v2+s4+$0x0], $0xffff;
	v3 =	vtrunc.f32 v3  }
0x20c: {  	v3 =	vcvt.f32.s32 v3;
	_ =	sdelay $0x1  }
0x20d: {  	v4 =	vmul.u32 $0xFFFFFFFD, v3  }
0x20e: {  	v1 =	vsub.s32 $0x0, v1  }
0x20f: {  	s0 =	sshra.s32 s0, $0x2;
	vm0 =	veq.s32 v4, v1  }
0x210: {  	[tilespmem:s0+$0x1A700] =	vst v3;
	v1 =	vnsel vm0, $0x0, v2  }
0x211: {  	[tilespmem:s0+$0x1B700] =	vst v1  }
0x212: {  	v1 =	vld [tilespmem:s28+$0x10]  }
0x213: {  	v2 =	vld [tilespmem:s28+$0xFFFFFF90];
	_ =	sdelay $0x3  }
0x214: {  	v3 =	vcvt.s32.f32 v1;
	_ =	sdelay $0x1  }
0x215: {  	v3 =	vmul.f32 $3.333333430e-01, v3;
	_ =	sdelay $0x1  }
0x216: {  	v2 =	vld.idx.msk [tilespmem:v2+s4+$0x0], $0xffff;
	v3 =	vtrunc.f32 v3  }
0x217: {  	v3 =	vcvt.f32.s32 v3;
	_ =	sdelay $0x1  }
0x218: {  	v4 =	vmul.u32 $0xFFFFFFFD, v3  }
0x219: {  	v1 =	vsub.s32 $0x0, v1  }
0x21a: {  	vm0 =	veq.s32 v4, v1  }
0x21b: {  	[tilespmem:s0+$0x1A710] =	vst v3;
	v1 =	vnsel vm0, $0x0, v2  }
0x21c: {  	[tilespmem:s0+$0x1B710] =	vst v1  }
0x21d: {  	v1 =	vld [tilespmem:s28+$0x20]  }
0x21e: {  	v2 =	vld [tilespmem:s28+$0xFFFFFFA0];
	_ =	sdelay $0x3  }
0x21f: {  	v3 =	vcvt.s32.f32 v1;
	_ =	sdelay $0x1  }
0x220: {  	v3 =	vmul.f32 $3.333333430e-01, v3;
	_ =	sdelay $0x1  }
0x221: {  	v2 =	vld.idx.msk [tilespmem:v2+s4+$0x0], $0xffff;
	v3 =	vtrunc.f32 v3  }
0x222: {  	v3 =	vcvt.f32.s32 v3;
	_ =	sdelay $0x1  }
0x223: {  	v4 =	vmul.u32 $0xFFFFFFFD, v3  }
0x224: {  	v1 =	vsub.s32 $0x0, v1  }
0x225: {  	vm0 =	veq.s32 v4, v1  }
0x226: {  	[tilespmem:s0+$0x1A720] =	vst v3;
	v1 =	vnsel vm0, $0x0, v2  }
0x227: {  	[tilespmem:s0+$0x1B720] =	vst v1  }
0x228: {  	v1 =	vld [tilespmem:s28+$0x30]  }
0x229: {  	v2 =	vld [tilespmem:s28+$0xFFFFFFB0];
	_ =	sdelay $0x3  }
0x22a: {  	v3 =	vcvt.s32.f32 v1;
	_ =	sdelay $0x1  }
0x22b: {  	v3 =	vmul.f32 $3.333333430e-01, v3;
	_ =	sdelay $0x1  }
0x22c: {  	v2 =	vld.idx.msk [tilespmem:v2+s4+$0x0], $0xffff;
	v3 =	vtrunc.f32 v3  }
0x22d: {  	v3 =	vcvt.f32.s32 v3;
	_ =	sdelay $0x1  }
0x22e: {  	v4 =	vmul.u32 $0xFFFFFFFD, v3;
	[tilespmem:s0+$0x1A730] =	vst v3  }
0x22f: {  	v1 =	vsub.s32 $0x0, v1  }
0x230: {  	vm0 =	veq.s32 v4, v1  }
0x231: {  	v1 =	vnsel vm0, $0x0, v2  }
0x232: {  	[tilespmem:s0+$0x1B730] =	vst v1  }
0x233: {  	v1 =	vld [tilespmem:s28+$0x40]  }
0x234: {  	v2 =	vld [tilespmem:s28+$0xFFFFFFC0];
	_ =	sdelay $0x3  }
0x235: {  	v3 =	vcvt.s32.f32 v1;
	_ =	sdelay $0x1  }
0x236: {  	v3 =	vmul.f32 $3.333333430e-01, v3;
	_ =	sdelay $0x1  }
0x237: {  	v2 =	vld.idx.msk [tilespmem:v2+s4+$0x0], $0xffff;
	v3 =	vtrunc.f32 v3  }
0x238: {  	v3 =	vcvt.f32.s32 v3;
	_ =	sdelay $0x1  }
0x239: {  	v4 =	vmul.u32 $0xFFFFFFFD, v3;
	[tilespmem:s0+$0x1A740] =	vst v3  }
0x23a: {  	v1 =	vsub.s32 $0x0, v1  }
0x23b: {  	vm0 =	veq.s32 v4, v1  }
0x23c: {  	v1 =	vnsel vm0, $0x0, v2  }
0x23d: {  	[tilespmem:s0+$0x1B740] =	vst v1  }
0x23e: {  	v1 =	vld [tilespmem:s28+$0x50]  }
0x23f: {  	v2 =	vld [tilespmem:s28+$0xFFFFFFD0];
	_ =	sdelay $0x3  }
0x240: {  	v3 =	vcvt.s32.f32 v1;
	_ =	sdelay $0x1  }
0x241: {  	v3 =	vmul.f32 $3.333333430e-01, v3;
	_ =	sdelay $0x1  }
0x242: {  	v2 =	vld.idx.msk [tilespmem:v2+s4+$0x0], $0xffff;
	v3 =	vtrunc.f32 v3  }
0x243: {  	v3 =	vcvt.f32.s32 v3;
	_ =	sdelay $0x1  }
0x244: {  	v4 =	vmul.u32 $0xFFFFFFFD, v3;
	[tilespmem:s0+$0x1A750] =	vst v3  }
0x245: {  	v1 =	vsub.s32 $0x0, v1  }
0x246: {  	vm0 =	veq.s32 v4, v1  }
0x247: {  	v1 =	vnsel vm0, $0x0, v2  }
0x248: {  	[tilespmem:s0+$0x1B750] =	vst v1  }
0x249: {  	v1 =	vld [tilespmem:s28+$0x60]  }
0x24a: {  	v2 =	vld [tilespmem:s28+$0xFFFFFFE0];
	_ =	sdelay $0x3  }
0x24b: {  	v3 =	vcvt.s32.f32 v1;
	_ =	sdelay $0x1  }
0x24c: {  	v3 =	vmul.f32 $3.333333430e-01, v3;
	_ =	sdelay $0x1  }
0x24d: {  	v2 =	vld.idx.msk [tilespmem:v2+s4+$0x0], $0xffff;
	v3 =	vtrunc.f32 v3  }
0x24e: {  	v3 =	vcvt.f32.s32 v3;
	_ =	sdelay $0x1  }
0x24f: {  	v4 =	vmul.u32 $0xFFFFFFFD, v3;
	[tilespmem:s0+$0x1A760] =	vst v3  }
0x250: {  	v1 =	vsub.s32 $0x0, v1  }
0x251: {  	vm0 =	veq.s32 v4, v1  }
0x252: {  	v1 =	vnsel vm0, $0x0, v2  }
0x253: {  	[tilespmem:s0+$0x1B760] =	vst v1  }
0x254: {  	v1 =	vld [tilespmem:s28+$0x70]  }
0x255: {  	v2 =	vld [tilespmem:s28+$0xFFFFFFF0];
	_ =	sdelay $0x3  }
0x256: {  	v3 =	vcvt.s32.f32 v1;
	_ =	sdelay $0x1  }
0x257: {  	v3 =	vmul.f32 $3.333333430e-01, v3;
	_ =	sdelay $0x1  }
0x258: {  	v2 =	vld.idx.msk [tilespmem:v2+s4+$0x0], $0xffff;
	v3 =	vtrunc.f32 v3  }
0x259: {  	v3 =	vcvt.f32.s32 v3  }
.Ltmp7:
0x25a: {  	(pc) =	sbr.rel @p2 .LBB2_11-.Ltmp7, $4  }
0x25b: {  	v4 =	vmul.u32 $0xFFFFFFFD, v3;
	[tilespmem:s0+$0x1A770] =	vst v3  }
0x25c: {  	v1 =	vsub.s32 $0x0, v1  }
0x25d: {  	vm0 =	veq.s32 v4, v1  }
0x25e: {  	v1 =	vnsel vm0, $0x0, v2  }
0x25f: {  	[tilespmem:s0+$0x1B770] =	vst v1  }
0x260: {  	[spmem:s3] =	stream.indirect.scatter.add.f32 [tilespmem:s18], [sflag:$0x3], $0x1, s17, s16, $0xb8;
	v63 =	vld [tilespmem:$0x0]  }
0x261: {  	_ =	swait.ge [sflag:s13], $0x1000  }
0x262: {  	[sflag:s13] =	ssyncset.done $0x0  }
0x263: {  	[sflag:s13] =	ssyncadd.s32 $0xFFFFF000  }
.LBB2_13:
.Ltmp8:
0x264: {  	(pc) =	sbr.rel @p1 .LBB2_19-.Ltmp8, $1  }
0x265: {  	_ =	sdelay $0x3  }
0x266: {  	s0 =	simm.s32 $0x0  }
0x267: {  	[tilespmem:s15], [sflag:$0x3] =	stream.linear.gather [hbm4b:s10+s0], $0xF00, $0x38;
	v63 =	vld [tilespmem:$0x0]  }
0x268: {  	s1 =	sand.u32 $0x70, s0;
	s0 =	sand.u32 $0x700, s0;
	_ =	swait.ge [sflag:s13], $0xF00  }
0x269: {  	s0 =	sor.u32 s1, s0;
	[sflag:s13] =	ssyncset.done $0x0  }
0x26a: {  	s1 =	sadd.s32 $0x18700, s0;
	[sflag:s13] =	ssyncadd.s32 $0xFFFFF100  }
0x26b: {  	v1 =	vld [tilespmem:s1+$0x80];
	_ =	sdelay $0x1  }
0x26c: {  	v2 =	vld [tilespmem:s0+$0x18700];
	_ =	sdelay $0x2  }
0x26d: {  	v3 =	vcvt.s32.f32 v1;
	_ =	sdelay $0x1  }
0x26e: {  	v3 =	vmul.f32 $3.333333430e-01, v3;
	_ =	sdelay $0x1  }
0x26f: {  	v3 =	vtrunc.f32 v3  }
0x270: {  	v2 =	vld.idx.msk [tilespmem:v2+s4+$0x0], $0xffff;
	v3 =	vcvt.f32.s32 v3;
	_ =	sdelay $0x1  }
0x271: {  	v4 =	vmul.u32 $0xFFFFFFFD, v3  }
0x272: {  	s0 =	simm.s32 $0x10;
	s1 =	simm.s32 $0x20;
	v1 =	vsub.s32 $0x0, v1  }
0x273: {  	s28 =	simm.s32 $0x1E700;
	s29 =	sand.u32 $0x70, s0;
	s1 =	sand.u32 $0x700, s1;
	vm0 =	veq.s32 v4, v1  }
0x274: {  	s0 =	simm.s32 $0x1EB00;
	s1 =	sor.u32 s29, s1;
	[tilespmem:s28+$0x0] =	vst v3;
	v1 =	vnsel vm0, $0x0, v2  }
0x275: {  	s28 =	sadd.s32 $0x18700, s1;
	[tilespmem:s0+$0x0] =	vst v1  }
0x276: {  	v2 =	vld [tilespmem:s28+$0x80];
	_ =	sdelay $0x1  }
0x277: {  	v1 =	vld [tilespmem:s1+$0x18700];
	_ =	sdelay $0x2  }
0x278: {  	v3 =	vcvt.s32.f32 v2;
	_ =	sdelay $0x1  }
0x279: {  	v3 =	vmul.f32 $3.333333430e-01, v3;
	_ =	sdelay $0x1  }
0x27a: {  	v3 =	vtrunc.f32 v3  }
0x27b: {  	v1 =	vld.idx.msk [tilespmem:v1+s4+$0x0], $0xffff;
	v3 =	vcvt.f32.s32 v3;
	_ =	sdelay $0x1  }
0x27c: {  	v62 =	vmul.u32 $0xFFFFFFFD, v3  }
0x27d: {  	s29 =	simm.s32 $0x20;
	s1 =	simm.s32 $0x1E710;
	s28 =	simm.s32 $0x40;
	v2 =	vsub.s32 $0x0, v2  }
0x27e: {  	s30 =	sand.u32 $0x70, s29;
	s29 =	simm.s32 $0x30;
	s31 =	sand.u32 $0x700, s28;
	[tilespmem:s1+$0x0] =	vst v3;
	vm0 =	veq.s32 v62, v2  }
.LBB2_15:
0x27f: {  	p2 =	sne.s32 s29, $0x3B0;
	s30 =	sor.u32 s30, s31;
	v1 =	vnsel vm0, $0x0, v1;
	s0 =	sadd.s32 $0x10, s0  }
0x280: {  	s31 =	sadd.s32 $0x18700, s30;
	[tilespmem:s0+$0x0] =	vst v1  }
0x281: {  	v2 =	vld [tilespmem:s31+$0x80]  }
0x282: {  	v1 =	vld [tilespmem:s30+$0x18700];
	_ =	sdelay $0x3  }
0x283: {  	v3 =	vcvt.s32.f32 v2;
	_ =	sdelay $0x1  }
0x284: {  	v3 =	vmul.f32 $3.333333430e-01, v3;
	_ =	sdelay $0x1  }
0x285: {  	v1 =	vld.idx.msk [tilespmem:v1+s4+$0x0], $0xffff;
	v3 =	vtrunc.f32 v3  }
.Ltmp9:
0x286: {  	v3 =	vcvt.f32.s32 v3;
	(pc) =	sbr.rel @p2 .LBB2_15-.Ltmp9, $4  }
0x287: {  	s1 =	sadd.s32 $0x10, s1  }
0x288: {  	v4 =	vmul.u32 $0xFFFFFFFD, v3;
	[tilespmem:s1+$0x0] =	vst v3  }
0x289: {  	s28 =	sadd.s32 $0x20, s28;
	v2 =	vsub.s32 $0x0, v2  }
0x28a: {  	s31 =	sand.u32 $0x700, s28;
	s30 =	sand.u32 $0x70, s29;
	s29 =	sadd.s32 $0x10, s29;
	vm0 =	veq.s32 v4, v2  }
0x28b: {  	s28 =	sor.u32 s30, s31;
	v1 =	vnsel vm0, $0x0, v1;
	s0 =	sadd.s32 $0x10, s0  }
0x28c: {  	s29 =	sadd.s32 $0x18700, s28;
	[tilespmem:s0+$0x0] =	vst v1  }
0x28d: {  	v1 =	vld [tilespmem:s29+$0x80];
	_ =	sdelay $0x1  }
0x28e: {  	v2 =	vld [tilespmem:s28+$0x18700];
	_ =	sdelay $0x2  }
0x28f: {  	v3 =	vcvt.s32.f32 v1;
	_ =	sdelay $0x1  }
0x290: {  	v3 =	vmul.f32 $3.333333430e-01, v3;
	_ =	sdelay $0x1  }
0x291: {  	v3 =	vtrunc.f32 v3  }
0x292: {  	v2 =	vld.idx.msk [tilespmem:v2+s4+$0x0], $0xffff;
	v3 =	vcvt.f32.s32 v3;
	_ =	sdelay $0x1  }
0x293: {  	v4 =	vmul.u32 $0xFFFFFFFD, v3  }
0x294: {  	v1 =	vsub.s32 $0x0, v1  }
0x295: {  	s1 =	sadd.s32 $0x10, s1;
	vm0 =	veq.s32 v4, v1  }
0x296: {  	s0 =	sadd.s32 $0x10, s0;
	s28 =	simm.s32 $0x1E700;
	[tilespmem:s1+$0x0] =	vst v3;
	v1 =	vnsel vm0, $0x0, v2  }
0x297: {  	s29 =	simm.s32 $0x780;
	s1 =	simm.s32 $0x3C0;
	[tilespmem:s0+$0x0] =	vst v1;
	s0 =	simm.s32 $0x1EB00  }
0x298: {  	[spmem:s3] =	stream.indirect.scatter.add.f32 [tilespmem:s0], [sflag:$0x3], $0x1, s28, s1, $0xb8;
	v63 =	vld [tilespmem:$0x0]  }
0x299: {  	s29 =	sand.u32 $0xF00, s29;
	s1 =	sand.u32 $0x70, s1;
	_ =	swait.ge [sflag:s13], $0x3C0  }
0x29a: {  	s1 =	sor.u32 s1, s29;
	[sflag:s13] =	ssyncset.done $0x0  }
0x29b: {  	s29 =	sadd.s32 $0x18700, s1;
	[sflag:s13] =	ssyncadd.s32 $0xFFFFFC40  }
0x29c: {  	v1 =	vld [tilespmem:s29+$0x80];
	_ =	sdelay $0x1  }
0x29d: {  	v2 =	vld [tilespmem:s1+$0x18700];
	_ =	sdelay $0x2  }
0x29e: {  	v3 =	vcvt.s32.f32 v1;
	_ =	sdelay $0x1  }
0x29f: {  	v3 =	vmul.f32 $3.333333430e-01, v3;
	_ =	sdelay $0x1  }
0x2a0: {  	v3 =	vtrunc.f32 v3  }
0x2a1: {  	v2 =	vld.idx.msk [tilespmem:v2+s4+$0x0], $0xffff;
	v3 =	vcvt.f32.s32 v3;
	_ =	sdelay $0x1  }
0x2a2: {  	v61 =	vmul.u32 $0xFFFFFFFD, v3  }
0x2a3: {  	s1 =	simm.s32 $0x7A0;
	s29 =	simm.s32 $0x3D0;
	v1 =	vsub.s32 $0x0, v1  }
0x2a4: {  	s29 =	sand.u32 $0x70, s29;
	s1 =	sand.u32 $0xF00, s1;
	vm0 =	veq.s32 v61, v1  }
0x2a5: {  	s1 =	sor.u32 s29, s1;
	[tilespmem:s28+$0x0] =	vst v3;
	v1 =	vnsel vm0, $0x0, v2  }
0x2a6: {  	s28 =	sadd.s32 $0x18700, s1;
	[tilespmem:s0+$0x0] =	vst v1  }
0x2a7: {  	v2 =	vld [tilespmem:s28+$0x80];
	_ =	sdelay $0x1  }
0x2a8: {  	v1 =	vld [tilespmem:s1+$0x18700];
	_ =	sdelay $0x2  }
0x2a9: {  	v3 =	vcvt.s32.f32 v2;
	_ =	sdelay $0x1  }
0x2aa: {  	v3 =	vmul.f32 $3.333333430e-01, v3;
	_ =	sdelay $0x1  }
0x2ab: {  	v3 =	vtrunc.f32 v3  }
0x2ac: {  	v1 =	vld.idx.msk [tilespmem:v1+s4+$0x0], $0xffff;
	v3 =	vcvt.f32.s32 v3;
	_ =	sdelay $0x1  }
0x2ad: {  	v62 =	vmul.u32 $0xFFFFFFFD, v3  }
0x2ae: {  	s29 =	simm.s32 $0x7C0;
	s1 =	simm.s32 $0x1E710;
	s28 =	simm.s32 $0x3E0;
	v2 =	vsub.s32 $0x0, v2  }
0x2af: {  	s31 =	sand.u32 $0xF00, s29;
	s29 =	simm.s32 $0x7E0;
	s30 =	sand.u32 $0x70, s28;
	[tilespmem:s1+$0x0] =	vst v3;
	vm0 =	veq.s32 v62, v2  }
.LBB2_17:
0x2b0: {  	p2 =	sne.s32 s29, $0xEE0;
	s30 =	sor.u32 s30, s31;
	v1 =	vnsel vm0, $0x0, v1;
	s0 =	sadd.s32 $0x10, s0  }
0x2b1: {  	s31 =	sadd.s32 $0x18700, s30;
	[tilespmem:s0+$0x0] =	vst v1  }
0x2b2: {  	v2 =	vld [tilespmem:s31+$0x80]  }
0x2b3: {  	v1 =	vld [tilespmem:s30+$0x18700];
	_ =	sdelay $0x3  }
0x2b4: {  	v3 =	vcvt.s32.f32 v2;
	_ =	sdelay $0x1  }
0x2b5: {  	v3 =	vmul.f32 $3.333333430e-01, v3;
	_ =	sdelay $0x1  }
0x2b6: {  	v1 =	vld.idx.msk [tilespmem:v1+s4+$0x0], $0xffff;
	v3 =	vtrunc.f32 v3  }
.Ltmp10:
0x2b7: {  	v3 =	vcvt.f32.s32 v3;
	(pc) =	sbr.rel @p2 .LBB2_17-.Ltmp10, $4  }
0x2b8: {  	s1 =	sadd.s32 $0x10, s1  }
0x2b9: {  	v4 =	vmul.u32 $0xFFFFFFFD, v3;
	[tilespmem:s1+$0x0] =	vst v3  }
0x2ba: {  	s28 =	sadd.s32 $0x10, s28;
	v2 =	vsub.s32 $0x0, v2  }
0x2bb: {  	s31 =	sand.u32 $0xF00, s29;
	s29 =	sadd.s32 $0x20, s29;
	s30 =	sand.u32 $0x70, s28;
	vm0 =	veq.s32 v4, v2  }
0x2bc: {  	s28 =	sor.u32 s30, s31;
	v1 =	vnsel vm0, $0x0, v1;
	s0 =	sadd.s32 $0x10, s0  }
0x2bd: {  	s29 =	sadd.s32 $0x18700, s28;
	[tilespmem:s0+$0x0] =	vst v1  }
0x2be: {  	v1 =	vld [tilespmem:s29+$0x80];
	_ =	sdelay $0x1  }
0x2bf: {  	v2 =	vld [tilespmem:s28+$0x18700];
	_ =	sdelay $0x2  }
0x2c0: {  	v3 =	vcvt.s32.f32 v1;
	_ =	sdelay $0x1  }
0x2c1: {  	v3 =	vmul.f32 $3.333333430e-01, v3;
	_ =	sdelay $0x1  }
0x2c2: {  	v3 =	vtrunc.f32 v3  }
0x2c3: {  	v2 =	vld.idx.msk [tilespmem:v2+s4+$0x0], $0xffff;
	v3 =	vcvt.f32.s32 v3;
	_ =	sdelay $0x1  }
0x2c4: {  	v4 =	vmul.u32 $0xFFFFFFFD, v3  }
0x2c5: {  	v1 =	vsub.s32 $0x0, v1  }
0x2c6: {  	s1 =	sadd.s32 $0x10, s1;
	vm15 =	veq.s32 v4, v1  }
0x2c7: {  	s0 =	sadd.s32 $0x10, s0;
	[tilespmem:s1+$0x0] =	vst v3;
	v1 =	vnsel vm15, $0x0, v2  }
.Ltmp11:
0x2c8: {  	[tilespmem:s0+$0x0] =	vst v1;
	(pc) =	sbr.rel .LBB2_19-.Ltmp11, $4  }
0x2c9: {  	[spmem:s3] =	stream.indirect.scatter.add.f32 [tilespmem:s25], [sflag:$0x3], $0x1, s24, s23, $0xb8;
	v63 =	vld [tilespmem:$0x0]  }
0x2ca: {  	_ =	swait.ge [sflag:s13], $0x3C0  }
0x2cb: {  	[sflag:s13] =	ssyncset.done $0x0  }
0x2cc: {  	[sflag:s13] =	ssyncadd.s32 $0xFFFFFC40  }
.LBB2_20:
0x2cd: {  	_ =	sfence.sel $0x180000  }
0x2ce: {  	[bflag:$0x0] =	sbarrier.arrive $0xFFFF  }
0x2cf: {  	_ =	strace $0x90000047  }
0x2d0: {  	s0 =	stileid.u32;
	[bflag:$0x2] =	sbarrier.arrive $0xFFFF  }
0x2d1: {  	p0 =	sne.s32 s0, $0x0;
	s0 =	rddreg [dreg:$0x3]  }
0x2d2: {  	s0 =	sadd.s32 @!p0 $0x100000, s0  }
0x2d3: {  	[sflag:s0] =	ssyncadd.tile.s32 @!p0 $0x1;
	_ =	shalt  }
.Lfunc_end2:
_tile_overlayer_lowered:
.L_overlay_start_2:
0x2d4: {  	(tag) =	ssettag $0x2  }
0x2d5: {  	s0 =	rddreg [dreg:$0x0];
	s2 =	stileid.u32  }
0x2d6: {  	s1 =	rddreg [dreg:$0x1];
	p0 =	sne.s32 s2, $0x0  }
0x2d7: {  	s3 =	rddreg [dreg:$0x2];
	[bflag:$0x3] =	sbarrier.arrive $0xFFFF;
	s2 =	simm.s32 @!p0 $0x1C03  }
0x2d8: {  	[timem:s3], [sflag:s2] =	dma.local @!p0 [hbm:s0], s1  }
0x2d9: {  	s0 =	simm.s32 @!p0 $0x3  }
0x2da: {  	_ =	swait.ge @!p0 [sflag:s0], s1  }
0x2db: {  	s1 =	ssub.s32 @!p0 $0x0, s1;
	[sflag:s0] =	ssyncset.done @!p0 $0x0  }
0x2dc: {  	[sflag:s0] =	ssyncadd.s32 @!p0 s1  }
0x2dd: {  	[bflag:$0x3] =	sbarrier.arrive $0xFFFF  }
0x2de: {  	_ =	shalt  }

</sc_bundles>
